<compile_context>
chip_gen: v7x
topology: tpu7x:2x2x1
jax: 0.10.2.dev20260603
libtpu: 0.0.44.dev20260713+nightly
codegen_flags: <defaults>
</compile_context>

<pallas_src>
import functools

import jax
import jax.numpy as jnp
from jax import lax
from jax.experimental import pallas as pl
from jax.experimental.pallas import tpu as pltpu
from jax.experimental.pallas import tpu_sc as plsc


def _sc_workers():
    try:
        info = plsc.get_sparse_core_info()
        return info.num_cores, info.num_subcores
    except Exception:
        return 2, 16


@jax.jit
def _relayout_table(wt):
    nc, ns = _sc_workers()
    nw = nc * ns
    d, v = wt.shape
    n_strips = v // 128
    per_w = (n_strips + nw - 1) // nw
    if per_w % 2 == 0:
        per_w += 1
    extra = n_strips - (per_w - 1) * nw

    mesh = plsc.VectorSubcoreMesh(core_axis_name="c", subcore_axis_name="s")

    @functools.partial(
        pl.kernel,
        out_type=jax.ShapeDtypeStruct((v * d // 128, 128), wt.dtype),
        mesh=mesh,
        scratch_types=[
            pltpu.VMEM((2, d, 128), wt.dtype),
            pltpu.VMEM((2, d, 128), wt.dtype),
            pltpu.SemaphoreType.DMA,
            pltpu.SemaphoreType.DMA,
            pltpu.SemaphoreType.DMA,
            pltpu.SemaphoreType.DMA,
        ],
        compiler_params=pltpu.CompilerParams(
            needs_layout_passes=False, use_tc_tiling_on_sc=True
        ),
    )
    def body(wt_hbm, out_hbm, in_v, tr_v, gi0, gi1, so0, so1):
        wid = lax.axis_index("s") * nc + lax.axis_index("c")
        lo = wid * (per_w - 1) + jnp.minimum(wid, extra)
        gis = (gi0, gi1)
        sos = (so0, so1)
        iota = jax.lax.iota(jnp.int32, 16)

        def strip(j):
            return jnp.minimum(lo + j, n_strips - 1)

        def fire_in(j, b):
            c = strip(j)
            pltpu.async_copy(
                wt_hbm.at[:, pl.ds(c * 128, 128)], in_v.at[b], gis[b]
            )

        def drain_in(b):
            pltpu.make_async_copy(
                wt_hbm.at[:, pl.ds(0, 128)], in_v.at[b], gis[b]
            ).wait()

        def permute(b):
            src = in_v.at[b]
            dst = tr_v.at[b]

            @pl.loop(0, 16)
            def _(s):
                d15 = (iota + s) & 15
                vals = []
                for k in range(8):
                    colv = 16 * k + d15
                    for jh in range(d // 16):
                        rowv = 16 * jh + iota
                        vals.append(plsc.load_gather(src, [rowv, colv]))
                for k in range(8):
                    colv = 16 * k + d15
                    p2v = colv >> 2
                    cv2 = ((colv & 3) << 5) + iota
                    for jh in range(d // 16):
                        plsc.store_scatter(
                            dst,
                            [p2v, cv2 + 16 * jh],
                            vals[k * (d // 16) + jh],
                        )

        def fire_out(j, b):
            c = strip(j)
            pltpu.async_copy(tr_v.at[b], out_hbm.at[pl.ds(c * 32, 32)], sos[b])

        def drain_out(b):
            pltpu.make_async_copy(
                tr_v.at[b], out_hbm.at[pl.ds(0, 32)], sos[b]
            ).wait()

        fire_in(0, 0)
        fire_in(1, 1)
        drain_in(0)
        permute(0)
        fire_in(2, 0)
        fire_out(0, 0)

        @pl.loop(0, (per_w - 1) // 2)
        def _(t):
            a = 2 * t + 1
            drain_in(1)

            @pl.when(t > 0)
            def _():
                drain_out(1)

            permute(1)

            @pl.when(a + 2 < per_w)
            def _():
                fire_in(a + 2, 1)

            fire_out(a, 1)

            bb = 2 * t + 2
            drain_in(0)
            drain_out(0)
            permute(0)

            @pl.when(bb + 2 < per_w)
            def _():
                fire_in(bb + 2, 0)

            fire_out(bb, 0)

        drain_out(0)
        drain_out(1)

    return body(wt)


@functools.partial(jax.jit, static_argnames=("h_dim", "b_dim"))
def _gather_t(idx, table, *, h_dim, b_dim):
    nc, ns = _sc_workers()
    nw = nc * ns
    d = table.shape[1]
    n_per_w = idx.shape[1]

    cb = 5
    chunk = cb * 128
    n_chunks = n_per_w // chunk
    blocks_per_w = n_per_w // 128
    n_cb = b_dim // 128
    out_rows = h_dim * (d // 8) * n_cb * 8
    assert n_chunks % 2 == 0 and d % 8 == 0

    mesh = plsc.VectorSubcoreMesh(core_axis_name="c", subcore_axis_name="s")

    @functools.partial(
        pl.kernel,
        out_type=jax.ShapeDtypeStruct((out_rows, 128), table.dtype),
        mesh=mesh,
        scratch_types=[
            pltpu.VMEM((n_per_w,), jnp.int32),
            pltpu.VMEM((2, chunk, d), table.dtype),
            pltpu.VMEM((cb * d, 129), table.dtype),
            pltpu.SemaphoreType.DMA,
            pltpu.SemaphoreType.DMA,
            pltpu.SemaphoreType.DMA,
        ],
        compiler_params=pltpu.CompilerParams(
            needs_layout_passes=False, use_tc_tiling_on_sc=False
        ),
    )
    def body(idx_hbm, table_hbm, out_hbm, idx_v, rows_v, trans_v, g0, g1, st):
        wid = lax.axis_index("s") * nc + lax.axis_index("c")
        base_blk = wid * blocks_per_w

        pltpu.sync_copy(idx_hbm.at[wid], idx_v)

        iota = jax.lax.iota(jnp.int32, 16)

        def fire_gather(g, buf, sem):
            pltpu.async_copy(
                table_hbm.at[idx_v.at[pl.ds(g * chunk, chunk)]],
                rows_v.at[buf],
                sem,
            )

        def drain_gather(buf, sem):
            pltpu.make_async_copy(
                table_hbm.at[idx_v.at[pl.ds(0, chunk)]], rows_v.at[buf], sem
            ).wait()

        def permute_chunk(buf):
            rows = rows_v.at[buf]
            for blk in range(cb):
                rb = blk * 128
                tb = blk * d

                @pl.loop(0, 64)
                def _(u):
                    bis = [2 * u, 2 * u + 1]
                    vals = []
                    for bb in range(2):
                        n = rb + bis[bb]
                        for k in range(d // 16):
                            vals.append(rows[n, pl.ds(16 * k, 16)])
                    for bb in range(2):
                        col = jnp.full((16,), bis[bb], dtype=jnp.int32)
                        for k in range(d // 16):
                            rowv = tb + 16 * k + iota
                            plsc.store_scatter(
                                trans_v,
                                [rowv, col],
                                vals[bb * (d // 16) + k],
                            )

        def fire_stores(g):
            b0 = base_blk + g * cb
            for blk in range(cb):
                bid = b0 + blk
                h = bid // n_cb
                cbk = bid - h * n_cb
                for r in range(d // 8):
                    rowb = ((h * (d // 8) + r) * n_cb + cbk) * 8
                    pltpu.async_copy(
                        trans_v.at[pl.ds(blk * d + r * 8, 8), pl.ds(0, 128)],
                        out_hbm.at[pl.ds(rowb, 8)],
                        st,
                    )

        def drain_stores():
            for _ in range(cb * (d // 8)):
                pltpu.make_async_copy(
                    trans_v.at[pl.ds(0, 8), pl.ds(0, 128)],
                    out_hbm.at[pl.ds(0, 8)],
                    st,
                ).wait()

        fire_gather(0, 0, g0)
        fire_gather(1, 1, g1)
        drain_gather(0, g0)
        permute_chunk(0)
        fire_gather(2, 0, g0)
        fire_stores(0)

        @pl.loop(0, n_chunks // 2 - 1)
        def _(t):
            a = 2 * t + 1
            drain_gather(1, g1)
            drain_stores()
            permute_chunk(1)
            fire_gather(a + 2, 1, g1)
            fire_stores(a)

            b = 2 * t + 2
            drain_gather(0, g0)
            drain_stores()
            permute_chunk(0)

            @pl.when(b + 2 < n_chunks)
            def _():
                fire_gather(b + 2, 0, g0)

            fire_stores(b)

        drain_gather(1, g1)
        drain_stores()
        permute_chunk(1)
        fire_stores(n_chunks - 1)
        drain_stores()

    return body(idx, table)


def kernel(indices, W_embedding):
    b, h = indices.shape
    v, d = W_embedding.shape
    nc, ns = _sc_workers()
    nw = nc * ns
    n = b * h
    n_per_w = n // nw
    assert n % nw == 0

    idx_t = indices.T.reshape(nw, n_per_w).astype(jnp.int32)

    w_rm = _relayout_table(W_embedding.T)
    v_full = (v // 128) * 128
    if v_full < v:
        tail = W_embedding[v_full:, :].reshape(-1, 128)
        w_rm = jax.lax.dynamic_update_slice(w_rm, tail, (v_full * d // 128, 0))
    table = w_rm.reshape(v, d)

    out5 = _gather_t(idx_t, table, h_dim=h, b_dim=b)
    out = (
        out5.reshape(h, d // 8, b // 128, 8, 128)
        .transpose(2, 4, 0, 1, 3)
        .reshape(b, h, d)
    )
    return out

# --- scband reference (transcript-rebuilt; emitter-appended) ---
"""Pipeline reference for scband-embedding-14663018348580 (READ-ONLY COPY).

The authoritative reference and input builder live on the scoring server;
editing this copy changes nothing except your own understanding.
"""

import jax, jax.numpy as jnp
import numpy as np

ENTITY_COUNT = 1000000
EMBED_DIM = 32
BATCH = 16384
HIST = 50


def setup_inputs(seed: int = 0) -> dict:
    key = jax.random.key(seed)
    k_idx, k_emb = jax.random.split(key)
    indices = jax.random.randint(k_idx, (BATCH, HIST), 0, ENTITY_COUNT, dtype=jnp.int64 if jax.config.jax_enable_x64 else jnp.int32)
    # glorot-style init as in the original module:
    # np.sqrt(3 / (entity_count + embedding_width))
    glorot_std = np.sqrt(3.0 / (ENTITY_COUNT + EMBED_DIM))
    W_embedding = jax.random.normal(k_emb, (ENTITY_COUNT, EMBED_DIM), dtype=jnp.float32) * glorot_std
    return {"indices": indices, "W_embedding": W_embedding}


def reference(indices, W_embedding):
    # Embedding lookup: gather rows of the entity embedding table.
    # Equivalent to get_all_subject_codes()[indices] in the original module.
    return jnp.take(W_embedding, indices, axis=0)

if __name__ == "__main__":
    import jax
    _d = setup_inputs()
    print(jax.jit(kernel)(*tuple(_d.values())))

</pallas_src>

<mosaic_0001>
#map = affine_map<(d0, d1) -> (0, 0)>
module attributes {stable_mosaic.version = 14 : i64} {
  func.func @body(%arg0: i32, %arg1: i32, %arg2: memref<32x1000000xf32, #tpu.memory_space<hbm>>, %arg3: memref<250000x128xf32, #tpu.memory_space<hbm>>, %arg4: memref<2x32x128xf32, #tpu.memory_space<vmem>>, %arg5: memref<2x32x128xf32, #tpu.memory_space<vmem>>, %arg6: memref<!tpu.dma_semaphore, #tpu.memory_space<semaphore_mem>>, %arg7: memref<!tpu.dma_semaphore, #tpu.memory_space<semaphore_mem>>, %arg8: memref<!tpu.dma_semaphore, #tpu.memory_space<semaphore_mem>>, %arg9: memref<!tpu.dma_semaphore, #tpu.memory_space<semaphore_mem>>) attributes {dimension_semantics = [#tpu.dimension_semantics<core_parallel>, #tpu.dimension_semantics<subcore_parallel>], iteration_bounds = array<i64: 2, 16>, scalar_prefetch = 0 : i64, scratch_operands = 6 : i64, tpu.core_type = #tpu.core_type<sc_vector_subcore>, window_params = [{transform_indices = #map}, {transform_indices = #map}]} {
    %mul3A = arith.constant 2 : i32
    %mul3A_0 = arith.muli %arg1, %mul3A : i32
    %add3A = arith.addi %mul3A_0, %arg0 : i32
    %mul3A_1 = arith.constant 244 : i32
    %mul3A_2 = arith.muli %add3A, %mul3A_1 : i32
    %min3A = arith.constant 4 : i32
    %min3A_3 = arith.minsi %add3A, %min3A : i32
    %add3A_4 = arith.addi %mul3A_2, %min3A_3 : i32
    %iota3A = tpu.iota {dimensions = array<i32: 0>} : vector<16xi32>
    %add3A_5 = arith.constant 0 : i32
    %add3A_6 = arith.addi %add3A_4, %add3A_5 : i32
    %min3A_7 = arith.constant 7811 : i32
    %min3A_8 = arith.minsi %add3A_6, %min3A_7 : i32
    %mul3A_9 = arith.constant 128 : i32
    %mul3A_10 = arith.muli %min3A_8, %mul3A_9 : i32
    %dma_start3A = arith.constant 0 : i32
    %dma_start3A_11 = arith.constant 0 : i32
    %dma_start3A_12 = arith.constant 0 : i32
    %dma_start3A_13 = tpu.memref_slice %arg4[%dma_start3A, %dma_start3A_11, %dma_start3A_12] : memref<2x32x128xf32, #tpu.memory_space<vmem>> -> memref<1x32x128xf32, #tpu.memory_space<vmem>>
    %dma_start3A_14 = tpu.memref_squeeze %dma_start3A_13 : memref<1x32x128xf32, #tpu.memory_space<vmem>> -> memref<32x128xf32, #tpu.memory_space<vmem>>
    %dma_start3A_15 = arith.constant 0 : i32
    %dma_start3A_16 = tpu.memref_slice %arg2[%dma_start3A_15, %mul3A_10] : memref<32x1000000xf32, #tpu.memory_space<hbm>> -> memref<32x128xf32, #tpu.memory_space<hbm>>
    %dma_start3A_17 = arith.constant 0 : i32
    %dma_start3A_18 = arith.constant 0 : i32
    %dma_start3A_19 = tpu.memref_slice %arg4[%dma_start3A, %dma_start3A_17, %dma_start3A_18] : memref<2x32x128xf32, #tpu.memory_space<vmem>> -> memref<1x32x128xf32, #tpu.memory_space<vmem>>
    %dma_start3A_20 = tpu.memref_squeeze %dma_start3A_19 : memref<1x32x128xf32, #tpu.memory_space<vmem>> -> memref<32x128xf32, #tpu.memory_space<vmem>>
    %dma_start3A_21 = arith.constant 0 : i32
    %dma_start3A_22 = tpu.memref_slice %arg2[%dma_start3A_21, %mul3A_10] : memref<32x1000000xf32, #tpu.memory_space<hbm>> -> memref<32x128xf32, #tpu.memory_space<hbm>>
    tpu.enqueue_dma source(%dma_start3A_22 : memref<32x128xf32, #tpu.memory_space<hbm>>) target(%dma_start3A_20 : memref<32x128xf32, #tpu.memory_space<vmem>>) target_semaphore(%arg6 : memref<!tpu.dma_semaphore, #tpu.memory_space<semaphore_mem>>)
    %add3A_23 = arith.constant 1 : i32
    %add3A_24 = arith.addi %add3A_4, %add3A_23 : i32
    %min3A_25 = arith.constant 7811 : i32
    %min3A_26 = arith.minsi %add3A_24, %min3A_25 : i32
    %mul3A_27 = arith.constant 128 : i32
    %mul3A_28 = arith.muli %min3A_26, %mul3A_27 : i32
    %dma_start3A_29 = arith.constant 1 : i32
    %dma_start3A_30 = arith.constant 0 : i32
    %dma_start3A_31 = arith.constant 0 : i32
    %dma_start3A_32 = tpu.memref_slice %arg4[%dma_start3A_29, %dma_start3A_30, %dma_start3A_31] : memref<2x32x128xf32, #tpu.memory_space<vmem>> -> memref<1x32x128xf32, #tpu.memory_space<vmem>>
    %dma_start3A_33 = tpu.memref_squeeze %dma_start3A_32 : memref<1x32x128xf32, #tpu.memory_space<vmem>> -> memref<32x128xf32, #tpu.memory_space<vmem>>
    %dma_start3A_34 = arith.constant 0 : i32
    %dma_start3A_35 = tpu.memref_slice %arg2[%dma_start3A_34, %mul3A_28] : memref<32x1000000xf32, #tpu.memory_space<hbm>> -> memref<32x128xf32, #tpu.memory_space<hbm>>
    %dma_start3A_36 = arith.constant 0 : i32
    %dma_start3A_37 = arith.constant 0 : i32
    %dma_start3A_38 = tpu.memref_slice %arg4[%dma_start3A_29, %dma_start3A_36, %dma_start3A_37] : memref<2x32x128xf32, #tpu.memory_space<vmem>> -> memref<1x32x128xf32, #tpu.memory_space<vmem>>
    %dma_start3A_39 = tpu.memref_squeeze %dma_start3A_38 : memref<1x32x128xf32, #tpu.memory_space<vmem>> -> memref<32x128xf32, #tpu.memory_space<vmem>>
    %dma_start3A_40 = arith.constant 0 : i32
    %dma_start3A_41 = tpu.memref_slice %arg2[%dma_start3A_40, %mul3A_28] : memref<32x1000000xf32, #tpu.memory_space<hbm>> -> memref<32x128xf32, #tpu.memory_space<hbm>>
    tpu.enqueue_dma source(%dma_start3A_41 : memref<32x128xf32, #tpu.memory_space<hbm>>) target(%dma_start3A_39 : memref<32x128xf32, #tpu.memory_space<vmem>>) target_semaphore(%arg7 : memref<!tpu.dma_semaphore, #tpu.memory_space<semaphore_mem>>)
    %dma_wait3A = arith.constant 0 : i32
    %dma_wait3A_42 = arith.constant 0 : i32
    %dma_wait3A_43 = arith.constant 0 : i32
    %dma_wait3A_44 = tpu.memref_slice %arg4[%dma_wait3A, %dma_wait3A_42, %dma_wait3A_43] : memref<2x32x128xf32, #tpu.memory_space<vmem>> -> memref<1x32x128xf32, #tpu.memory_space<vmem>>
    %dma_wait3A_45 = tpu.memref_squeeze %dma_wait3A_44 : memref<1x32x128xf32, #tpu.memory_space<vmem>> -> memref<32x128xf32, #tpu.memory_space<vmem>>
    %dma_wait3A_46 = arith.constant 0 : i32
    %dma_wait3A_47 = arith.constant 0 : i32
    %dma_wait3A_48 = tpu.memref_slice %arg2[%dma_wait3A_46, %dma_wait3A_47] : memref<32x1000000xf32, #tpu.memory_space<hbm>> -> memref<32x128xf32, #tpu.memory_space<hbm>>
    %dma_wait3A_49 = arith.constant 0 : i32
    %dma_wait3A_50 = arith.constant 0 : i32
    %dma_wait3A_51 = tpu.memref_slice %arg4[%dma_wait3A, %dma_wait3A_49, %dma_wait3A_50] : memref<2x32x128xf32, #tpu.memory_space<vmem>> -> memref<1x32x128xf32, #tpu.memory_space<vmem>>
    %dma_wait3A_52 = tpu.memref_squeeze %dma_wait3A_51 : memref<1x32x128xf32, #tpu.memory_space<vmem>> -> memref<32x128xf32, #tpu.memory_space<vmem>>
    %dma_wait3A_53 = arith.constant 0 : i32
    %dma_wait3A_54 = arith.constant 0 : i32
    %dma_wait3A_55 = tpu.memref_slice %arg2[%dma_wait3A_53, %dma_wait3A_54] : memref<32x1000000xf32, #tpu.memory_space<hbm>> -> memref<32x128xf32, #tpu.memory_space<hbm>>
    tpu.wait_dma2 semaphore(%arg6 : memref<!tpu.dma_semaphore, #tpu.memory_space<semaphore_mem>>) src(%dma_wait3A_55 : memref<32x128xf32, #tpu.memory_space<hbm>>) dst(%dma_wait3A_52 : memref<32x128xf32, #tpu.memory_space<vmem>>)
    %scan3A = arith.constant 0 : i32
    %scan3A_56 = arith.constant 0 : i32
    %scan3A_57 = arith.constant 0 : i32
    %scan3A_58 = arith.constant 16 : i32
    %scan3A_59 = arith.addi %scan3A_57, %scan3A_58 : i32
    %scan3A_60 = arith.constant 1 : i32
    scf.for %scan3A_135 = %scan3A_57 to %scan3A_59 step %scan3A_60  : i32 {
      %mul3A_136 = arith.constant 1 : i32
      %mul3A_137 = arith.muli %scan3A_135, %mul3A_136 : i32
      %add3A_138 = arith.constant 0 : i32
      %add3A_139 = arith.addi %add3A_138, %mul3A_137 : i32
      %add3A_140 = vector.broadcast %add3A_139 : i32 to vector<16xi32>
      %add3A_141 = arith.addi %iota3A, %add3A_140 : vector<16xi32>
      %and3A = arith.constant 15 : i32
      %and3A_142 = vector.broadcast %and3A : i32 to vector<16xi32>
      %and3A_143 = arith.andi %add3A_141, %and3A_142 : vector<16xi32>
      %add3A_144 = arith.constant 0 : i32
      %add3A_145 = vector.broadcast %add3A_144 : i32 to vector<16xi32>
      %add3A_146 = arith.addi %add3A_145, %and3A_143 : vector<16xi32>
      %add3A_147 = arith.constant 0 : i32
      %add3A_148 = vector.broadcast %add3A_147 : i32 to vector<16xi32>
      %add3A_149 = arith.addi %add3A_148, %iota3A : vector<16xi32>
      %gather3A = arith.constant 0 : i32
      %gather3A_150 = arith.constant 0 : i32
      %gather3A_151 = tpu.memref_slice %arg4[%scan3A, %gather3A, %gather3A_150] : memref<2x32x128xf32, #tpu.memory_space<vmem>> -> memref<1x32x128xf32, #tpu.memory_space<vmem>>
      %gather3A_152 = tpu.memref_squeeze %gather3A_151 : memref<1x32x128xf32, #tpu.memory_space<vmem>> -> memref<32x128xf32, #tpu.memory_space<vmem>>
      %gather3A_153 = tpu.vector_load_idx %gather3A_152[%add3A_149, %add3A_146] : memref<32x128xf32, #tpu.memory_space<vmem>>[vector<16xi32>, vector<16xi32>], vector<16xf32>,
      %add3A_154 = arith.constant 16 : i32
      %add3A_155 = vector.broadcast %add3A_154 : i32 to vector<16xi32>
      %add3A_156 = arith.addi %add3A_155, %iota3A : vector<16xi32>
      %gather3A_157 = arith.constant 0 : i32
      %gather3A_158 = arith.constant 0 : i32
      %gather3A_159 = tpu.memref_slice %arg4[%scan3A, %gather3A_157, %gather3A_158] : memref<2x32x128xf32, #tpu.memory_space<vmem>> -> memref<1x32x128xf32, #tpu.memory_space<vmem>>
      %gather3A_160 = tpu.memref_squeeze %gather3A_159 : memref<1x32x128xf32, #tpu.memory_space<vmem>> -> memref<32x128xf32, #tpu.memory_space<vmem>>
      %gather3A_161 = tpu.vector_load_idx %gather3A_160[%add3A_156, %add3A_146] : memref<32x128xf32, #tpu.memory_space<vmem>>[vector<16xi32>, vector<16xi32>], vector<16xf32>,
      %add3A_162 = arith.constant 16 : i32
      %add3A_163 = vector.broadcast %add3A_162 : i32 to vector<16xi32>
      %add3A_164 = arith.addi %add3A_163, %and3A_143 : vector<16xi32>
      %add3A_165 = arith.constant 0 : i32
      %add3A_166 = vector.broadcast %add3A_165 : i32 to vector<16xi32>
      %add3A_167 = arith.addi %add3A_166, %iota3A : vector<16xi32>
      %gather3A_168 = arith.constant 0 : i32
      %gather3A_169 = arith.constant 0 : i32
      %gather3A_170 = tpu.memref_slice %arg4[%scan3A, %gather3A_168, %gather3A_169] : memref<2x32x128xf32, #tpu.memory_space<vmem>> -> memref<1x32x128xf32, #tpu.memory_space<vmem>>
      %gather3A_171 = tpu.memref_squeeze %gather3A_170 : memref<1x32x128xf32, #tpu.memory_space<vmem>> -> memref<32x128xf32, #tpu.memory_space<vmem>>
      %gather3A_172 = tpu.vector_load_idx %gather3A_171[%add3A_167, %add3A_164] : memref<32x128xf32, #tpu.memory_space<vmem>>[vector<16xi32>, vector<16xi32>], vector<16xf32>,
      %add3A_173 = arith.constant 16 : i32
      %add3A_174 = vector.broadcast %add3A_173 : i32 to vector<16xi32>
      %add3A_175 = arith.addi %add3A_174, %iota3A : vector<16xi32>
      %gather3A_176 = arith.constant 0 : i32
      %gather3A_177 = arith.constant 0 : i32
      %gather3A_178 = tpu.memref_slice %arg4[%scan3A, %gather3A_176, %gather3A_177] : memref<2x32x128xf32, #tpu.memory_space<vmem>> -> memref<1x32x128xf32, #tpu.memory_space<vmem>>
      %gather3A_179 = tpu.memref_squeeze %gather3A_178 : memref<1x32x128xf32, #tpu.memory_space<vmem>> -> memref<32x128xf32, #tpu.memory_space<vmem>>
      %gather3A_180 = tpu.vector_load_idx %gather3A_179[%add3A_175, %add3A_164] : memref<32x128xf32, #tpu.memory_space<vmem>>[vector<16xi32>, vector<16xi32>], vector<16xf32>,
      %add3A_181 = arith.constant 32 : i32
      %add3A_182 = vector.broadcast %add3A_181 : i32 to vector<16xi32>
      %add3A_183 = arith.addi %add3A_182, %and3A_143 : vector<16xi32>
      %add3A_184 = arith.constant 0 : i32
      %add3A_185 = vector.broadcast %add3A_184 : i32 to vector<16xi32>
      %add3A_186 = arith.addi %add3A_185, %iota3A : vector<16xi32>
      %gather3A_187 = arith.constant 0 : i32
      %gather3A_188 = arith.constant 0 : i32
      %gather3A_189 = tpu.memref_slice %arg4[%scan3A, %gather3A_187, %gather3A_188] : memref<2x32x128xf32, #tpu.memory_space<vmem>> -> memref<1x32x128xf32, #tpu.memory_space<vmem>>
      %gather3A_190 = tpu.memref_squeeze %gather3A_189 : memref<1x32x128xf32, #tpu.memory_space<vmem>> -> memref<32x128xf32, #tpu.memory_space<vmem>>
      %gather3A_191 = tpu.vector_load_idx %gather3A_190[%add3A_186, %add3A_183] : memref<32x128xf32, #tpu.memory_space<vmem>>[vector<16xi32>, vector<16xi32>], vector<16xf32>,
      %add3A_192 = arith.constant 16 : i32
      %add3A_193 = vector.broadcast %add3A_192 : i32 to vector<16xi32>
      %add3A_194 = arith.addi %add3A_193, %iota3A : vector<16xi32>
      %gather3A_195 = arith.constant 0 : i32
      %gather3A_196 = arith.constant 0 : i32
      %gather3A_197 = tpu.memref_slice %arg4[%scan3A, %gather3A_195, %gather3A_196] : memref<2x32x128xf32, #tpu.memory_space<vmem>> -> memref<1x32x128xf32, #tpu.memory_space<vmem>>
      %gather3A_198 = tpu.memref_squeeze %gather3A_197 : memref<1x32x128xf32, #tpu.memory_space<vmem>> -> memref<32x128xf32, #tpu.memory_space<vmem>>
      %gather3A_199 = tpu.vector_load_idx %gather3A_198[%add3A_194, %add3A_183] : memref<32x128xf32, #tpu.memory_space<vmem>>[vector<16xi32>, vector<16xi32>], vector<16xf32>,
      %add3A_200 = arith.constant 48 : i32
      %add3A_201 = vector.broadcast %add3A_200 : i32 to vector<16xi32>
      %add3A_202 = arith.addi %add3A_201, %and3A_143 : vector<16xi32>
      %add3A_203 = arith.constant 0 : i32
      %add3A_204 = vector.broadcast %add3A_203 : i32 to vector<16xi32>
      %add3A_205 = arith.addi %add3A_204, %iota3A : vector<16xi32>
      %gather3A_206 = arith.constant 0 : i32
      %gather3A_207 = arith.constant 0 : i32
      %gather3A_208 = tpu.memref_slice %arg4[%scan3A, %gather3A_206, %gather3A_207] : memref<2x32x128xf32, #tpu.memory_space<vmem>> -> memref<1x32x128xf32, #tpu.memory_space<vmem>>
      %gather3A_209 = tpu.memref_squeeze %gather3A_208 : memref<1x32x128xf32, #tpu.memory_space<vmem>> -> memref<32x128xf32, #tpu.memory_space<vmem>>
      %gather3A_210 = tpu.vector_load_idx %gather3A_209[%add3A_205, %add3A_202] : memref<32x128xf32, #tpu.memory_space<vmem>>[vector<16xi32>, vector<16xi32>], vector<16xf32>,
      %add3A_211 = arith.constant 16 : i32
      %add3A_212 = vector.broadcast %add3A_211 : i32 to vector<16xi32>
      %add3A_213 = arith.addi %add3A_212, %iota3A : vector<16xi32>
      %gather3A_214 = arith.constant 0 : i32
      %gather3A_215 = arith.constant 0 : i32
      %gather3A_216 = tpu.memref_slice %arg4[%scan3A, %gather3A_214, %gather3A_215] : memref<2x32x128xf32, #tpu.memory_space<vmem>> -> memref<1x32x128xf32, #tpu.memory_space<vmem>>
      %gather3A_217 = tpu.memref_squeeze %gather3A_216 : memref<1x32x128xf32, #tpu.memory_space<vmem>> -> memref<32x128xf32, #tpu.memory_space<vmem>>
      %gather3A_218 = tpu.vector_load_idx %gather3A_217[%add3A_213, %add3A_202] : memref<32x128xf32, #tpu.memory_space<vmem>>[vector<16xi32>, vector<16xi32>], vector<16xf32>,
      %add3A_219 = arith.constant 64 : i32
      %add3A_220 = vector.broadcast %add3A_219 : i32 to vector<16xi32>
      %add3A_221 = arith.addi %add3A_220, %and3A_143 : vector<16xi32>
      %add3A_222 = arith.constant 0 : i32
      %add3A_223 = vector.broadcast %add3A_222 : i32 to vector<16xi32>
      %add3A_224 = arith.addi %add3A_223, %iota3A : vector<16xi32>
      %gather3A_225 = arith.constant 0 : i32
      %gather3A_226 = arith.constant 0 : i32
      %gather3A_227 = tpu.memref_slice %arg4[%scan3A, %gather3A_225, %gather3A_226] : memref<2x32x128xf32, #tpu.memory_space<vmem>> -> memref<1x32x128xf32, #tpu.memory_space<vmem>>
      %gather3A_228 = tpu.memref_squeeze %gather3A_227 : memref<1x32x128xf32, #tpu.memory_space<vmem>> -> memref<32x128xf32, #tpu.memory_space<vmem>>
      %gather3A_229 = tpu.vector_load_idx %gather3A_228[%add3A_224, %add3A_221] : memref<32x128xf32, #tpu.memory_space<vmem>>[vector<16xi32>, vector<16xi32>], vector<16xf32>,
      %add3A_230 = arith.constant 16 : i32
      %add3A_231 = vector.broadcast %add3A_230 : i32 to vector<16xi32>
      %add3A_232 = arith.addi %add3A_231, %iota3A : vector<16xi32>
      %gather3A_233 = arith.constant 0 : i32
      %gather3A_234 = arith.constant 0 : i32
      %gather3A_235 = tpu.memref_slice %arg4[%scan3A, %gather3A_233, %gather3A_234] : memref<2x32x128xf32, #tpu.memory_space<vmem>> -> memref<1x32x128xf32, #tpu.memory_space<vmem>>
      %gather3A_236 = tpu.memref_squeeze %gather3A_235 : memref<1x32x128xf32, #tpu.memory_space<vmem>> -> memref<32x128xf32, #tpu.memory_space<vmem>>
      %gather3A_237 = tpu.vector_load_idx %gather3A_236[%add3A_232, %add3A_221] : memref<32x128xf32, #tpu.memory_space<vmem>>[vector<16xi32>, vector<16xi32>], vector<16xf32>,
      %add3A_238 = arith.constant 80 : i32
      %add3A_239 = vector.broadcast %add3A_238 : i32 to vector<16xi32>
      %add3A_240 = arith.addi %add3A_239, %and3A_143 : vector<16xi32>
      %add3A_241 = arith.constant 0 : i32
      %add3A_242 = vector.broadcast %add3A_241 : i32 to vector<16xi32>
      %add3A_243 = arith.addi %add3A_242, %iota3A : vector<16xi32>
      %gather3A_244 = arith.constant 0 : i32
      %gather3A_245 = arith.constant 0 : i32
      %gather3A_246 = tpu.memref_slice %arg4[%scan3A, %gather3A_244, %gather3A_245] : memref<2x32x128xf32, #tpu.memory_space<vmem>> -> memref<1x32x128xf32, #tpu.memory_space<vmem>>
      %gather3A_247 = tpu.memref_squeeze %gather3A_246 : memref<1x32x128xf32, #tpu.memory_space<vmem>> -> memref<32x128xf32, #tpu.memory_space<vmem>>
      %gather3A_248 = tpu.vector_load_idx %gather3A_247[%add3A_243, %add3A_240] : memref<32x128xf32, #tpu.memory_space<vmem>>[vector<16xi32>, vector<16xi32>], vector<16xf32>,
      %add3A_249 = arith.constant 16 : i32
      %add3A_250 = vector.broadcast %add3A_249 : i32 to vector<16xi32>
      %add3A_251 = arith.addi %add3A_250, %iota3A : vector<16xi32>
      %gather3A_252 = arith.constant 0 : i32
      %gather3A_253 = arith.constant 0 : i32
      %gather3A_254 = tpu.memref_slice %arg4[%scan3A, %gather3A_252, %gather3A_253] : memref<2x32x128xf32, #tpu.memory_space<vmem>> -> memref<1x32x128xf32, #tpu.memory_space<vmem>>
      %gather3A_255 = tpu.memref_squeeze %gather3A_254 : memref<1x32x128xf32, #tpu.memory_space<vmem>> -> memref<32x128xf32, #tpu.memory_space<vmem>>
      %gather3A_256 = tpu.vector_load_idx %gather3A_255[%add3A_251, %add3A_240] : memref<32x128xf32, #tpu.memory_space<vmem>>[vector<16xi32>, vector<16xi32>], vector<16xf32>,
      %add3A_257 = arith.constant 96 : i32
      %add3A_258 = vector.broadcast %add3A_257 : i32 to vector<16xi32>
      %add3A_259 = arith.addi %add3A_258, %and3A_143 : vector<16xi32>
      %add3A_260 = arith.constant 0 : i32
      %add3A_261 = vector.broadcast %add3A_260 : i32 to vector<16xi32>
      %add3A_262 = arith.addi %add3A_261, %iota3A : vector<16xi32>
      %gather3A_263 = arith.constant 0 : i32
      %gather3A_264 = arith.constant 0 : i32
      %gather3A_265 = tpu.memref_slice %arg4[%scan3A, %gather3A_263, %gather3A_264] : memref<2x32x128xf32, #tpu.memory_space<vmem>> -> memref<1x32x128xf32, #tpu.memory_space<vmem>>
      %gather3A_266 = tpu.memref_squeeze %gather3A_265 : memref<1x32x128xf32, #tpu.memory_space<vmem>> -> memref<32x128xf32, #tpu.memory_space<vmem>>
      %gather3A_267 = tpu.vector_load_idx %gather3A_266[%add3A_262, %add3A_259] : memref<32x128xf32, #tpu.memory_space<vmem>>[vector<16xi32>, vector<16xi32>], vector<16xf32>,
      %add3A_268 = arith.constant 16 : i32
      %add3A_269 = vector.broadcast %add3A_268 : i32 to vector<16xi32>
      %add3A_270 = arith.addi %add3A_269, %iota3A : vector<16xi32>
      %gather3A_271 = arith.constant 0 : i32
      %gather3A_272 = arith.constant 0 : i32
      %gather3A_273 = tpu.memref_slice %arg4[%scan3A, %gather3A_271, %gather3A_272] : memref<2x32x128xf32, #tpu.memory_space<vmem>> -> memref<1x32x128xf32, #tpu.memory_space<vmem>>
      %gather3A_274 = tpu.memref_squeeze %gather3A_273 : memref<1x32x128xf32, #tpu.memory_space<vmem>> -> memref<32x128xf32, #tpu.memory_space<vmem>>
      %gather3A_275 = tpu.vector_load_idx %gather3A_274[%add3A_270, %add3A_259] : memref<32x128xf32, #tpu.memory_space<vmem>>[vector<16xi32>, vector<16xi32>], vector<16xf32>,
      %add3A_276 = arith.constant 112 : i32
      %add3A_277 = vector.broadcast %add3A_276 : i32 to vector<16xi32>
      %add3A_278 = arith.addi %add3A_277, %and3A_143 : vector<16xi32>
      %add3A_279 = arith.constant 0 : i32
      %add3A_280 = vector.broadcast %add3A_279 : i32 to vector<16xi32>
      %add3A_281 = arith.addi %add3A_280, %iota3A : vector<16xi32>
      %gather3A_282 = arith.constant 0 : i32
      %gather3A_283 = arith.constant 0 : i32
      %gather3A_284 = tpu.memref_slice %arg4[%scan3A, %gather3A_282, %gather3A_283] : memref<2x32x128xf32, #tpu.memory_space<vmem>> -> memref<1x32x128xf32, #tpu.memory_space<vmem>>
      %gather3A_285 = tpu.memref_squeeze %gather3A_284 : memref<1x32x128xf32, #tpu.memory_space<vmem>> -> memref<32x128xf32, #tpu.memory_space<vmem>>
      %gather3A_286 = tpu.vector_load_idx %gather3A_285[%add3A_281, %add3A_278] : memref<32x128xf32, #tpu.memory_space<vmem>>[vector<16xi32>, vector<16xi32>], vector<16xf32>,
      %add3A_287 = arith.constant 16 : i32
      %add3A_288 = vector.broadcast %add3A_287 : i32 to vector<16xi32>
      %add3A_289 = arith.addi %add3A_288, %iota3A : vector<16xi32>
      %gather3A_290 = arith.constant 0 : i32
      %gather3A_291 = arith.constant 0 : i32
      %gather3A_292 = tpu.memref_slice %arg4[%scan3A, %gather3A_290, %gather3A_291] : memref<2x32x128xf32, #tpu.memory_space<vmem>> -> memref<1x32x128xf32, #tpu.memory_space<vmem>>
      %gather3A_293 = tpu.memref_squeeze %gather3A_292 : memref<1x32x128xf32, #tpu.memory_space<vmem>> -> memref<32x128xf32, #tpu.memory_space<vmem>>
      %gather3A_294 = tpu.vector_load_idx %gather3A_293[%add3A_289, %add3A_278] : memref<32x128xf32, #tpu.memory_space<vmem>>[vector<16xi32>, vector<16xi32>], vector<16xf32>,
      %add3A_295 = arith.constant 0 : i32
      %add3A_296 = vector.broadcast %add3A_295 : i32 to vector<16xi32>
      %add3A_297 = arith.addi %add3A_296, %and3A_143 : vector<16xi32>
      %shift_right_arithmetic3A = arith.constant 2 : i32
      %shift_right_arithmetic3A_298 = vector.broadcast %shift_right_arithmetic3A : i32 to vector<16xi32>
      %shift_right_arithmetic3A_299 = arith.shrsi %add3A_297, %shift_right_arithmetic3A_298 : vector<16xi32>
      %and3A_300 = arith.constant 3 : i32
      %and3A_301 = vector.broadcast %and3A_300 : i32 to vector<16xi32>
      %and3A_302 = arith.andi %add3A_297, %and3A_301 : vector<16xi32>
      %shift_left3A = arith.constant 5 : i32
      %shift_left3A_303 = vector.broadcast %shift_left3A : i32 to vector<16xi32>
      %shift_left3A_304 = arith.shli %and3A_302, %shift_left3A_303 : vector<16xi32>
      %add3A_305 = arith.addi %shift_left3A_304, %iota3A : vector<16xi32>
      %add3A_306 = arith.constant 0 : i32
      %add3A_307 = vector.broadcast %add3A_306 : i32 to vector<16xi32>
      %add3A_308 = arith.addi %add3A_305, %add3A_307 : vector<16xi32>
      %scatter3A = arith.constant 0 : i32
      %scatter3A_309 = arith.constant 0 : i32
      %scatter3A_310 = tpu.memref_slice %arg5[%scan3A_56, %scatter3A, %scatter3A_309] : memref<2x32x128xf32, #tpu.memory_space<vmem>> -> memref<1x32x128xf32, #tpu.memory_space<vmem>>
      %scatter3A_311 = tpu.memref_squeeze %scatter3A_310 : memref<1x32x128xf32, #tpu.memory_space<vmem>> -> memref<32x128xf32, #tpu.memory_space<vmem>>
      tpu.vector_store_idx %scatter3A_311[%shift_right_arithmetic3A_299, %add3A_308], %gather3A_153 : memref<32x128xf32, #tpu.memory_space<vmem>>[vector<16xi32>, vector<16xi32>], vector<16xf32>,
      %add3A_312 = arith.constant 16 : i32
      %add3A_313 = vector.broadcast %add3A_312 : i32 to vector<16xi32>
      %add3A_314 = arith.addi %add3A_305, %add3A_313 : vector<16xi32>
      %scatter3A_315 = arith.constant 0 : i32
      %scatter3A_316 = arith.constant 0 : i32
      %scatter3A_317 = tpu.memref_slice %arg5[%scan3A_56, %scatter3A_315, %scatter3A_316] : memref<2x32x128xf32, #tpu.memory_space<vmem>> -> memref<1x32x128xf32, #tpu.memory_space<vmem>>
      %scatter3A_318 = tpu.memref_squeeze %scatter3A_317 : memref<1x32x128xf32, #tpu.memory_space<vmem>> -> memref<32x128xf32, #tpu.memory_space<vmem>>
      tpu.vector_store_idx %scatter3A_318[%shift_right_arithmetic3A_299, %add3A_314], %gather3A_161 : memref<32x128xf32, #tpu.memory_space<vmem>>[vector<16xi32>, vector<16xi32>], vector<16xf32>,
      %add3A_319 = arith.constant 16 : i32
      %add3A_320 = vector.broadcast %add3A_319 : i32 to vector<16xi32>
      %add3A_321 = arith.addi %add3A_320, %and3A_143 : vector<16xi32>
      %shift_right_arithmetic3A_322 = arith.constant 2 : i32
      %shift_right_arithmetic3A_323 = vector.broadcast %shift_right_arithmetic3A_322 : i32 to vector<16xi32>
      %shift_right_arithmetic3A_324 = arith.shrsi %add3A_321, %shift_right_arithmetic3A_323 : vector<16xi32>
      %and3A_325 = arith.constant 3 : i32
      %and3A_326 = vector.broadcast %and3A_325 : i32 to vector<16xi32>
      %and3A_327 = arith.andi %add3A_321, %and3A_326 : vector<16xi32>
      %shift_left3A_328 = arith.constant 5 : i32
      %shift_left3A_329 = vector.broadcast %shift_left3A_328 : i32 to vector<16xi32>
      %shift_left3A_330 = arith.shli %and3A_327, %shift_left3A_329 : vector<16xi32>
      %add3A_331 = arith.addi %shift_left3A_330, %iota3A : vector<16xi32>
      %add3A_332 = arith.constant 0 : i32
      %add3A_333 = vector.broadcast %add3A_332 : i32 to vector<16xi32>
      %add3A_334 = arith.addi %add3A_331, %add3A_333 : vector<16xi32>
      %scatter3A_335 = arith.constant 0 : i32
      %scatter3A_336 = arith.constant 0 : i32
      %scatter3A_337 = tpu.memref_slice %arg5[%scan3A_56, %scatter3A_335, %scatter3A_336] : memref<2x32x128xf32, #tpu.memory_space<vmem>> -> memref<1x32x128xf32, #tpu.memory_space<vmem>>
      %scatter3A_338 = tpu.memref_squeeze %scatter3A_337 : memref<1x32x128xf32, #tpu.memory_space<vmem>> -> memref<32x128xf32, #tpu.memory_space<vmem>>
      tpu.vector_store_idx %scatter3A_338[%shift_right_arithmetic3A_324, %add3A_334], %gather3A_172 : memref<32x128xf32, #tpu.memory_space<vmem>>[vector<16xi32>, vector<16xi32>], vector<16xf32>,
      %add3A_339 = arith.constant 16 : i32
      %add3A_340 = vector.broadcast %add3A_339 : i32 to vector<16xi32>
      %add3A_341 = arith.addi %add3A_331, %add3A_340 : vector<16xi32>
      %scatter3A_342 = arith.constant 0 : i32
      %scatter3A_343 = arith.constant 0 : i32
      %scatter3A_344 = tpu.memref_slice %arg5[%scan3A_56, %scatter3A_342, %scatter3A_343] : memref<2x32x128xf32, #tpu.memory_space<vmem>> -> memref<1x32x128xf32, #tpu.memory_space<vmem>>
      %scatter3A_345 = tpu.memref_squeeze %scatter3A_344 : memref<1x32x128xf32, #tpu.memory_space<vmem>> -> memref<32x128xf32, #tpu.memory_space<vmem>>
      tpu.vector_store_idx %scatter3A_345[%shift_right_arithmetic3A_324, %add3A_341], %gather3A_180 : memref<32x128xf32, #tpu.memory_space<vmem>>[vector<16xi32>, vector<16xi32>], vector<16xf32>,
      %add3A_346 = arith.constant 32 : i32
      %add3A_347 = vector.broadcast %add3A_346 : i32 to vector<16xi32>
      %add3A_348 = arith.addi %add3A_347, %and3A_143 : vector<16xi32>
      %shift_right_arithmetic3A_349 = arith.constant 2 : i32
      %shift_right_arithmetic3A_350 = vector.broadcast %shift_right_arithmetic3A_349 : i32 to vector<16xi32>
      %shift_right_arithmetic3A_351 = arith.shrsi %add3A_348, %shift_right_arithmetic3A_350 : vector<16xi32>
      %and3A_352 = arith.constant 3 : i32
      %and3A_353 = vector.broadcast %and3A_352 : i32 to vector<16xi32>
      %and3A_354 = arith.andi %add3A_348, %and3A_353 : vector<16xi32>
      %shift_left3A_355 = arith.constant 5 : i32
      %shift_left3A_356 = vector.broadcast %shift_left3A_355 : i32 to vector<16xi32>
      %shift_left3A_357 = arith.shli %and3A_354, %shift_left3A_356 : vector<16xi32>
      %add3A_358 = arith.addi %shift_left3A_357, %iota3A : vector<16xi32>
      %add3A_359 = arith.constant 0 : i32
      %add3A_360 = vector.broadcast %add3A_359 : i32 to vector<16xi32>
      %add3A_361 = arith.addi %add3A_358, %add3A_360 : vector<16xi32>
      %scatter3A_362 = arith.constant 0 : i32
      %scatter3A_363 = arith.constant 0 : i32
      %scatter3A_364 = tpu.memref_slice %arg5[%scan3A_56, %scatter3A_362, %scatter3A_363] : memref<2x32x128xf32, #tpu.memory_space<vmem>> -> memref<1x32x128xf32, #tpu.memory_space<vmem>>
      %scatter3A_365 = tpu.memref_squeeze %scatter3A_364 : memref<1x32x128xf32, #tpu.memory_space<vmem>> -> memref<32x128xf32, #tpu.memory_space<vmem>>
      tpu.vector_store_idx %scatter3A_365[%shift_right_arithmetic3A_351, %add3A_361], %gather3A_191 : memref<32x128xf32, #tpu.memory_space<vmem>>[vector<16xi32>, vector<16xi32>], vector<16xf32>,
      %add3A_366 = arith.constant 16 : i32
      %add3A_367 = vector.broadcast %add3A_366 : i32 to vector<16xi32>
      %add3A_368 = arith.addi %add3A_358, %add3A_367 : vector<16xi32>
      %scatter3A_369 = arith.constant 0 : i32
      %scatter3A_370 = arith.constant 0 : i32
      %scatter3A_371 = tpu.memref_slice %arg5[%scan3A_56, %scatter3A_369, %scatter3A_370] : memref<2x32x128xf32, #tpu.memory_space<vmem>> -> memref<1x32x128xf32, #tpu.memory_space<vmem>>
      %scatter3A_372 = tpu.memref_squeeze %scatter3A_371 : memref<1x32x128xf32, #tpu.memory_space<vmem>> -> memref<32x128xf32, #tpu.memory_space<vmem>>
      tpu.vector_store_idx %scatter3A_372[%shift_right_arithmetic3A_351, %add3A_368], %gather3A_199 : memref<32x128xf32, #tpu.memory_space<vmem>>[vector<16xi32>, vector<16xi32>], vector<16xf32>,
      %add3A_373 = arith.constant 48 : i32
      %add3A_374 = vector.broadcast %add3A_373 : i32 to vector<16xi32>
      %add3A_375 = arith.addi %add3A_374, %and3A_143 : vector<16xi32>
      %shift_right_arithmetic3A_376 = arith.constant 2 : i32
      %shift_right_arithmetic3A_377 = vector.broadcast %shift_right_arithmetic3A_376 : i32 to vector<16xi32>
      %shift_right_arithmetic3A_378 = arith.shrsi %add3A_375, %shift_right_arithmetic3A_377 : vector<16xi32>
      %and3A_379 = arith.constant 3 : i32
      %and3A_380 = vector.broadcast %and3A_379 : i32 to vector<16xi32>
      %and3A_381 = arith.andi %add3A_375, %and3A_380 : vector<16xi32>
      %shift_left3A_382 = arith.constant 5 : i32
      %shift_left3A_383 = vector.broadcast %shift_left3A_382 : i32 to vector<16xi32>
      %shift_left3A_384 = arith.shli %and3A_381, %shift_left3A_383 : vector<16xi32>
      %add3A_385 = arith.addi %shift_left3A_384, %iota3A : vector<16xi32>
      %add3A_386 = arith.constant 0 : i32
      %add3A_387 = vector.broadcast %add3A_386 : i32 to vector<16xi32>
      %add3A_388 = arith.addi %add3A_385, %add3A_387 : vector<16xi32>
      %scatter3A_389 = arith.constant 0 : i32
      %scatter3A_390 = arith.constant 0 : i32
      %scatter3A_391 = tpu.memref_slice %arg5[%scan3A_56, %scatter3A_389, %scatter3A_390] : memref<2x32x128xf32, #tpu.memory_space<vmem>> -> memref<1x32x128xf32, #tpu.memory_space<vmem>>
      %scatter3A_392 = tpu.memref_squeeze %scatter3A_391 : memref<1x32x128xf32, #tpu.memory_space<vmem>> -> memref<32x128xf32, #tpu.memory_space<vmem>>
      tpu.vector_store_idx %scatter3A_392[%shift_right_arithmetic3A_378, %add3A_388], %gather3A_210 : memref<32x128xf32, #tpu.memory_space<vmem>>[vector<16xi32>, vector<16xi32>], vector<16xf32>,
      %add3A_393 = arith.constant 16 : i32
      %add3A_394 = vector.broadcast %add3A_393 : i32 to vector<16xi32>
      %add3A_395 = arith.addi %add3A_385, %add3A_394 : vector<16xi32>
      %scatter3A_396 = arith.constant 0 : i32
      %scatter3A_397 = arith.constant 0 : i32
      %scatter3A_398 = tpu.memref_slice %arg5[%scan3A_56, %scatter3A_396, %scatter3A_397] : memref<2x32x128xf32, #tpu.memory_space<vmem>> -> memref<1x32x128xf32, #tpu.memory_space<vmem>>
      %scatter3A_399 = tpu.memref_squeeze %scatter3A_398 : memref<1x32x128xf32, #tpu.memory_space<vmem>> -> memref<32x128xf32, #tpu.memory_space<vmem>>
      tpu.vector_store_idx %scatter3A_399[%shift_right_arithmetic3A_378, %add3A_395], %gather3A_218 : memref<32x128xf32, #tpu.memory_space<vmem>>[vector<16xi32>, vector<16xi32>], vector<16xf32>,
      %add3A_400 = arith.constant 64 : i32
      %add3A_401 = vector.broadcast %add3A_400 : i32 to vector<16xi32>
      %add3A_402 = arith.addi %add3A_401, %and3A_143 : vector<16xi32>
      %shift_right_arithmetic3A_403 = arith.constant 2 : i32
      %shift_right_arithmetic3A_404 = vector.broadcast %shift_right_arithmetic3A_403 : i32 to vector<16xi32>
      %shift_right_arithmetic3A_405 = arith.shrsi %add3A_402, %shift_right_arithmetic3A_404 : vector<16xi32>
      %and3A_406 = arith.constant 3 : i32
      %and3A_407 = vector.broadcast %and3A_406 : i32 to vector<16xi32>
      %and3A_408 = arith.andi %add3A_402, %and3A_407 : vector<16xi32>
      %shift_left3A_409 = arith.constant 5 : i32
      %shift_left3A_410 = vector.broadcast %shift_left3A_409 : i32 to vector<16xi32>
      %shift_left3A_411 = arith.shli %and3A_408, %shift_left3A_410 : vector<16xi32>
      %add3A_412 = arith.addi %shift_left3A_411, %iota3A : vector<16xi32>
      %add3A_413 = arith.constant 0 : i32
      %add3A_414 = vector.broadcast %add3A_413 : i32 to vector<16xi32>
      %add3A_415 = arith.addi %add3A_412, %add3A_414 : vector<16xi32>
      %scatter3A_416 = arith.constant 0 : i32
      %scatter3A_417 = arith.constant 0 : i32
      %scatter3A_418 = tpu.memref_slice %arg5[%scan3A_56, %scatter3A_416, %scatter3A_417] : memref<2x32x128xf32, #tpu.memory_space<vmem>> -> memref<1x32x128xf32, #tpu.memory_space<vmem>>
      %scatter3A_419 = tpu.memref_squeeze %scatter3A_418 : memref<1x32x128xf32, #tpu.memory_space<vmem>> -> memref<32x128xf32, #tpu.memory_space<vmem>>
      tpu.vector_store_idx %scatter3A_419[%shift_right_arithmetic3A_405, %add3A_415], %gather3A_229 : memref<32x128xf32, #tpu.memory_space<vmem>>[vector<16xi32>, vector<16xi32>], vector<16xf32>,
      %add3A_420 = arith.constant 16 : i32
      %add3A_421 = vector.broadcast %add3A_420 : i32 to vector<16xi32>
      %add3A_422 = arith.addi %add3A_412, %add3A_421 : vector<16xi32>
      %scatter3A_423 = arith.constant 0 : i32
      %scatter3A_424 = arith.constant 0 : i32
      %scatter3A_425 = tpu.memref_slice %arg5[%scan3A_56, %scatter3A_423, %scatter3A_424] : memref<2x32x128xf32, #tpu.memory_space<vmem>> -> memref<1x32x128xf32, #tpu.memory_space<vmem>>
      %scatter3A_426 = tpu.memref_squeeze %scatter3A_425 : memref<1x32x128xf32, #tpu.memory_space<vmem>> -> memref<32x128xf32, #tpu.memory_space<vmem>>
      tpu.vector_store_idx %scatter3A_426[%shift_right_arithmetic3A_405, %add3A_422], %gather3A_237 : memref<32x128xf32, #tpu.memory_space<vmem>>[vector<16xi32>, vector<16xi32>], vector<16xf32>,
      %add3A_427 = arith.constant 80 : i32
      %add3A_428 = vector.broadcast %add3A_427 : i32 to vector<16xi32>
      %add3A_429 = arith.addi %add3A_428, %and3A_143 : vector<16xi32>
      %shift_right_arithmetic3A_430 = arith.constant 2 : i32
      %shift_right_arithmetic3A_431 = vector.broadcast %shift_right_arithmetic3A_430 : i32 to vector<16xi32>
      %shift_right_arithmetic3A_432 = arith.shrsi %add3A_429, %shift_right_arithmetic3A_431 : vector<16xi32>
      %and3A_433 = arith.constant 3 : i32
      %and3A_434 = vector.broadcast %and3A_433 : i32 to vector<16xi32>
      %and3A_435 = arith.andi %add3A_429, %and3A_434 : vector<16xi32>
      %shift_left3A_436 = arith.constant 5 : i32
      %shift_left3A_437 = vector.broadcast %shift_left3A_436 : i32 to vector<16xi32>
      %shift_left3A_438 = arith.shli %and3A_435, %shift_left3A_437 : vector<16xi32>
      %add3A_439 = arith.addi %shift_left3A_438, %iota3A : vector<16xi32>
      %add3A_440 = arith.constant 0 : i32
      %add3A_441 = vector.broadcast %add3A_440 : i32 to vector<16xi32>
      %add3A_442 = arith.addi %add3A_439, %add3A_441 : vector<16xi32>
      %scatter3A_443 = arith.constant 0 : i32
      %scatter3A_444 = arith.constant 0 : i32
      %scatter3A_445 = tpu.memref_slice %arg5[%scan3A_56, %scatter3A_443, %scatter3A_444] : memref<2x32x128xf32, #tpu.memory_space<vmem>> -> memref<1x32x128xf32, #tpu.memory_space<vmem>>
      %scatter3A_446 = tpu.memref_squeeze %scatter3A_445 : memref<1x32x128xf32, #tpu.memory_space<vmem>> -> memref<32x128xf32, #tpu.memory_space<vmem>>
      tpu.vector_store_idx %scatter3A_446[%shift_right_arithmetic3A_432, %add3A_442], %gather3A_248 : memref<32x128xf32, #tpu.memory_space<vmem>>[vector<16xi32>, vector<16xi32>], vector<16xf32>,
      %add3A_447 = arith.constant 16 : i32
      %add3A_448 = vector.broadcast %add3A_447 : i32 to vector<16xi32>
      %add3A_449 = arith.addi %add3A_439, %add3A_448 : vector<16xi32>
      %scatter3A_450 = arith.constant 0 : i32
      %scatter3A_451 = arith.constant 0 : i32
      %scatter3A_452 = tpu.memref_slice %arg5[%scan3A_56, %scatter3A_450, %scatter3A_451] : memref<2x32x128xf32, #tpu.memory_space<vmem>> -> memref<1x32x128xf32, #tpu.memory_space<vmem>>
      %scatter3A_453 = tpu.memref_squeeze %scatter3A_452 : memref<1x32x128xf32, #tpu.memory_space<vmem>> -> memref<32x128xf32, #tpu.memory_space<vmem>>
      tpu.vector_store_idx %scatter3A_453[%shift_right_arithmetic3A_432, %add3A_449], %gather3A_256 : memref<32x128xf32, #tpu.memory_space<vmem>>[vector<16xi32>, vector<16xi32>], vector<16xf32>,
      %add3A_454 = arith.constant 96 : i32
      %add3A_455 = vector.broadcast %add3A_454 : i32 to vector<16xi32>
      %add3A_456 = arith.addi %add3A_455, %and3A_143 : vector<16xi32>
      %shift_right_arithmetic3A_457 = arith.constant 2 : i32
      %shift_right_arithmetic3A_458 = vector.broadcast %shift_right_arithmetic3A_457 : i32 to vector<16xi32>
      %shift_right_arithmetic3A_459 = arith.shrsi %add3A_456, %shift_right_arithmetic3A_458 : vector<16xi32>
      %and3A_460 = arith.constant 3 : i32
      %and3A_461 = vector.broadcast %and3A_460 : i32 to vector<16xi32>
      %and3A_462 = arith.andi %add3A_456, %and3A_461 : vector<16xi32>
      %shift_left3A_463 = arith.constant 5 : i32
      %shift_left3A_464 = vector.broadcast %shift_left3A_463 : i32 to vector<16xi32>
      %shift_left3A_465 = arith.shli %and3A_462, %shift_left3A_464 : vector<16xi32>
      %add3A_466 = arith.addi %shift_left3A_465, %iota3A : vector<16xi32>
      %add3A_467 = arith.constant 0 : i32
      %add3A_468 = vector.broadcast %add3A_467 : i32 to vector<16xi32>
      %add3A_469 = arith.addi %add3A_466, %add3A_468 : vector<16xi32>
      %scatter3A_470 = arith.constant 0 : i32
      %scatter3A_471 = arith.constant 0 : i32
      %scatter3A_472 = tpu.memref_slice %arg5[%scan3A_56, %scatter3A_470, %scatter3A_471] : memref<2x32x128xf32, #tpu.memory_space<vmem>> -> memref<1x32x128xf32, #tpu.memory_space<vmem>>
      %scatter3A_473 = tpu.memref_squeeze %scatter3A_472 : memref<1x32x128xf32, #tpu.memory_space<vmem>> -> memref<32x128xf32, #tpu.memory_space<vmem>>
      tpu.vector_store_idx %scatter3A_473[%shift_right_arithmetic3A_459, %add3A_469], %gather3A_267 : memref<32x128xf32, #tpu.memory_space<vmem>>[vector<16xi32>, vector<16xi32>], vector<16xf32>,
      %add3A_474 = arith.constant 16 : i32
      %add3A_475 = vector.broadcast %add3A_474 : i32 to vector<16xi32>
      %add3A_476 = arith.addi %add3A_466, %add3A_475 : vector<16xi32>
      %scatter3A_477 = arith.constant 0 : i32
      %scatter3A_478 = arith.constant 0 : i32
      %scatter3A_479 = tpu.memref_slice %arg5[%scan3A_56, %scatter3A_477, %scatter3A_478] : memref<2x32x128xf32, #tpu.memory_space<vmem>> -> memref<1x32x128xf32, #tpu.memory_space<vmem>>
      %scatter3A_480 = tpu.memref_squeeze %scatter3A_479 : memref<1x32x128xf32, #tpu.memory_space<vmem>> -> memref<32x128xf32, #tpu.memory_space<vmem>>
      tpu.vector_store_idx %scatter3A_480[%shift_right_arithmetic3A_459, %add3A_476], %gather3A_275 : memref<32x128xf32, #tpu.memory_space<vmem>>[vector<16xi32>, vector<16xi32>], vector<16xf32>,
      %add3A_481 = arith.constant 112 : i32
      %add3A_482 = vector.broadcast %add3A_481 : i32 to vector<16xi32>
      %add3A_483 = arith.addi %add3A_482, %and3A_143 : vector<16xi32>
      %shift_right_arithmetic3A_484 = arith.constant 2 : i32
      %shift_right_arithmetic3A_485 = vector.broadcast %shift_right_arithmetic3A_484 : i32 to vector<16xi32>
      %shift_right_arithmetic3A_486 = arith.shrsi %add3A_483, %shift_right_arithmetic3A_485 : vector<16xi32>
      %and3A_487 = arith.constant 3 : i32
      %and3A_488 = vector.broadcast %and3A_487 : i32 to vector<16xi32>
      %and3A_489 = arith.andi %add3A_483, %and3A_488 : vector<16xi32>
      %shift_left3A_490 = arith.constant 5 : i32
      %shift_left3A_491 = vector.broadcast %shift_left3A_490 : i32 to vector<16xi32>
      %shift_left3A_492 = arith.shli %and3A_489, %shift_left3A_491 : vector<16xi32>
      %add3A_493 = arith.addi %shift_left3A_492, %iota3A : vector<16xi32>
      %add3A_494 = arith.constant 0 : i32
      %add3A_495 = vector.broadcast %add3A_494 : i32 to vector<16xi32>
      %add3A_496 = arith.addi %add3A_493, %add3A_495 : vector<16xi32>
      %scatter3A_497 = arith.constant 0 : i32
      %scatter3A_498 = arith.constant 0 : i32
      %scatter3A_499 = tpu.memref_slice %arg5[%scan3A_56, %scatter3A_497, %scatter3A_498] : memref<2x32x128xf32, #tpu.memory_space<vmem>> -> memref<1x32x128xf32, #tpu.memory_space<vmem>>
      %scatter3A_500 = tpu.memref_squeeze %scatter3A_499 : memref<1x32x128xf32, #tpu.memory_space<vmem>> -> memref<32x128xf32, #tpu.memory_space<vmem>>
      tpu.vector_store_idx %scatter3A_500[%shift_right_arithmetic3A_486, %add3A_496], %gather3A_286 : memref<32x128xf32, #tpu.memory_space<vmem>>[vector<16xi32>, vector<16xi32>], vector<16xf32>,
      %add3A_501 = arith.constant 16 : i32
      %add3A_502 = vector.broadcast %add3A_501 : i32 to vector<16xi32>
      %add3A_503 = arith.addi %add3A_493, %add3A_502 : vector<16xi32>
      %scatter3A_504 = arith.constant 0 : i32
      %scatter3A_505 = arith.constant 0 : i32
      %scatter3A_506 = tpu.memref_slice %arg5[%scan3A_56, %scatter3A_504, %scatter3A_505] : memref<2x32x128xf32, #tpu.memory_space<vmem>> -> memref<1x32x128xf32, #tpu.memory_space<vmem>>
      %scatter3A_507 = tpu.memref_squeeze %scatter3A_506 : memref<1x32x128xf32, #tpu.memory_space<vmem>> -> memref<32x128xf32, #tpu.memory_space<vmem>>
      tpu.vector_store_idx %scatter3A_507[%shift_right_arithmetic3A_486, %add3A_503], %gather3A_294 : memref<32x128xf32, #tpu.memory_space<vmem>>[vector<16xi32>, vector<16xi32>], vector<16xf32>,
    }
    %scan3A_61 = arith.constant 16 : i32
    %add3A_62 = arith.constant 2 : i32
    %add3A_63 = arith.addi %add3A_4, %add3A_62 : i32
    %min3A_64 = arith.constant 7811 : i32
    %min3A_65 = arith.minsi %add3A_63, %min3A_64 : i32
    %mul3A_66 = arith.constant 128 : i32
    %mul3A_67 = arith.muli %min3A_65, %mul3A_66 : i32
    %dma_start3A_68 = arith.constant 0 : i32
    %dma_start3A_69 = arith.constant 0 : i32
    %dma_start3A_70 = arith.constant 0 : i32
    %dma_start3A_71 = tpu.memref_slice %arg4[%dma_start3A_68, %dma_start3A_69, %dma_start3A_70] : memref<2x32x128xf32, #tpu.memory_space<vmem>> -> memref<1x32x128xf32, #tpu.memory_space<vmem>>
    %dma_start3A_72 = tpu.memref_squeeze %dma_start3A_71 : memref<1x32x128xf32, #tpu.memory_space<vmem>> -> memref<32x128xf32, #tpu.memory_space<vmem>>
    %dma_start3A_73 = arith.constant 0 : i32
    %dma_start3A_74 = tpu.memref_slice %arg2[%dma_start3A_73, %mul3A_67] : memref<32x1000000xf32, #tpu.memory_space<hbm>> -> memref<32x128xf32, #tpu.memory_space<hbm>>
    %dma_start3A_75 = arith.constant 0 : i32
    %dma_start3A_76 = arith.constant 0 : i32
    %dma_start3A_77 = tpu.memref_slice %arg4[%dma_start3A_68, %dma_start3A_75, %dma_start3A_76] : memref<2x32x128xf32, #tpu.memory_space<vmem>> -> memref<1x32x128xf32, #tpu.memory_space<vmem>>
    %dma_start3A_78 = tpu.memref_squeeze %dma_start3A_77 : memref<1x32x128xf32, #tpu.memory_space<vmem>> -> memref<32x128xf32, #tpu.memory_space<vmem>>
    %dma_start3A_79 = arith.constant 0 : i32
    %dma_start3A_80 = tpu.memref_slice %arg2[%dma_start3A_79, %mul3A_67] : memref<32x1000000xf32, #tpu.memory_space<hbm>> -> memref<32x128xf32, #tpu.memory_space<hbm>>
    tpu.enqueue_dma source(%dma_start3A_80 : memref<32x128xf32, #tpu.memory_space<hbm>>) target(%dma_start3A_78 : memref<32x128xf32, #tpu.memory_space<vmem>>) target_semaphore(%arg6 : memref<!tpu.dma_semaphore, #tpu.memory_space<semaphore_mem>>)
    %add3A_81 = arith.constant 0 : i32
    %add3A_82 = arith.addi %add3A_4, %add3A_81 : i32
    %min3A_83 = arith.constant 7811 : i32
    %min3A_84 = arith.minsi %add3A_82, %min3A_83 : i32
    %mul3A_85 = arith.constant 32 : i32
    %mul3A_86 = arith.muli %min3A_84, %mul3A_85 : i32
    %dma_start3A_87 = arith.constant 0 : i32
    %dma_start3A_88 = arith.constant 0 : i32
    %dma_start3A_89 = arith.constant 0 : i32
    %dma_start3A_90 = tpu.memref_slice %arg5[%dma_start3A_87, %dma_start3A_88, %dma_start3A_89] : memref<2x32x128xf32, #tpu.memory_space<vmem>> -> memref<1x32x128xf32, #tpu.memory_space<vmem>>
    %dma_start3A_91 = tpu.memref_squeeze %dma_start3A_90 : memref<1x32x128xf32, #tpu.memory_space<vmem>> -> memref<32x128xf32, #tpu.memory_space<vmem>>
    %dma_start3A_92 = arith.constant 0 : i32
    %dma_start3A_93 = tpu.memref_slice %arg3[%mul3A_86, %dma_start3A_92] : memref<250000x128xf32, #tpu.memory_space<hbm>> -> memref<32x128xf32, #tpu.memory_space<hbm>>
    %dma_start3A_94 = arith.constant 0 : i32
    %dma_start3A_95 = tpu.memref_slice %arg3[%mul3A_86, %dma_start3A_94] : memref<250000x128xf32, #tpu.memory_space<hbm>> -> memref<32x128xf32, #tpu.memory_space<hbm>>
    %dma_start3A_96 = arith.constant 0 : i32
    %dma_start3A_97 = arith.constant 0 : i32
    %dma_start3A_98 = tpu.memref_slice %arg5[%dma_start3A_87, %dma_start3A_96, %dma_start3A_97] : memref<2x32x128xf32, #tpu.memory_space<vmem>> -> memref<1x32x128xf32, #tpu.memory_space<vmem>>
    %dma_start3A_99 = tpu.memref_squeeze %dma_start3A_98 : memref<1x32x128xf32, #tpu.memory_space<vmem>> -> memref<32x128xf32, #tpu.memory_space<vmem>>
    tpu.enqueue_dma source(%dma_start3A_99 : memref<32x128xf32, #tpu.memory_space<vmem>>) target(%dma_start3A_95 : memref<32x128xf32, #tpu.memory_space<hbm>>) target_semaphore(%arg8 : memref<!tpu.dma_semaphore, #tpu.memory_space<semaphore_mem>>)
    %scan3A_100 = arith.constant 0 : i32
    %scan3A_101 = arith.constant 122 : i32
    %scan3A_102 = arith.addi %scan3A_100, %scan3A_101 : i32
    %scan3A_103 = arith.constant 1 : i32
    scf.for %scan3A_135 = %scan3A_100 to %scan3A_102 step %scan3A_103  : i32 {
      %mul3A_136 = arith.constant 1 : i32
      %mul3A_137 = arith.muli %scan3A_135, %mul3A_136 : i32
      %add3A_138 = arith.constant 0 : i32
      %add3A_139 = arith.addi %add3A_138, %mul3A_137 : i32
      %mul3A_140 = arith.constant 2 : i32
      %mul3A_141 = arith.muli %mul3A_140, %add3A_139 : i32
      %add3A_142 = arith.constant 1 : i32
      %add3A_143 = arith.addi %mul3A_141, %add3A_142 : i32
      %dma_wait3A_144 = arith.constant 1 : i32
      %dma_wait3A_145 = arith.constant 0 : i32
      %dma_wait3A_146 = arith.constant 0 : i32
      %dma_wait3A_147 = tpu.memref_slice %arg4[%dma_wait3A_144, %dma_wait3A_145, %dma_wait3A_146] : memref<2x32x128xf32, #tpu.memory_space<vmem>> -> memref<1x32x128xf32, #tpu.memory_space<vmem>>
      %dma_wait3A_148 = tpu.memref_squeeze %dma_wait3A_147 : memref<1x32x128xf32, #tpu.memory_space<vmem>> -> memref<32x128xf32, #tpu.memory_space<vmem>>
      %dma_wait3A_149 = arith.constant 0 : i32
      %dma_wait3A_150 = arith.constant 0 : i32
      %dma_wait3A_151 = tpu.memref_slice %arg2[%dma_wait3A_149, %dma_wait3A_150] : memref<32x1000000xf32, #tpu.memory_space<hbm>> -> memref<32x128xf32, #tpu.memory_space<hbm>>
      %dma_wait3A_152 = arith.constant 0 : i32
      %dma_wait3A_153 = arith.constant 0 : i32
      %dma_wait3A_154 = tpu.memref_slice %arg4[%dma_wait3A_144, %dma_wait3A_152, %dma_wait3A_153] : memref<2x32x128xf32, #tpu.memory_space<vmem>> -> memref<1x32x128xf32, #tpu.memory_space<vmem>>
      %dma_wait3A_155 = tpu.memref_squeeze %dma_wait3A_154 : memref<1x32x128xf32, #tpu.memory_space<vmem>> -> memref<32x128xf32, #tpu.memory_space<vmem>>
      %dma_wait3A_156 = arith.constant 0 : i32
      %dma_wait3A_157 = arith.constant 0 : i32
      %dma_wait3A_158 = tpu.memref_slice %arg2[%dma_wait3A_156, %dma_wait3A_157] : memref<32x1000000xf32, #tpu.memory_space<hbm>> -> memref<32x128xf32, #tpu.memory_space<hbm>>
      tpu.wait_dma2 semaphore(%arg7 : memref<!tpu.dma_semaphore, #tpu.memory_space<semaphore_mem>>) src(%dma_wait3A_158 : memref<32x128xf32, #tpu.memory_space<hbm>>) dst(%dma_wait3A_155 : memref<32x128xf32, #tpu.memory_space<vmem>>)
      %gt3A = arith.constant 0 : i32
      %gt3A_159 = arith.cmpi sgt, %add3A_139, %gt3A : i32
      %convert_element_type3A = arith.extui %gt3A_159 : i1 to i32
      %cond3A = arith.constant 0 : i32
      %cond3A_160 = arith.cmpi ne, %convert_element_type3A, %cond3A : i32
      scf.if %cond3A_160 {
        %dma_wait3A_258 = arith.constant 1 : i32
        %dma_wait3A_259 = arith.constant 0 : i32
        %dma_wait3A_260 = arith.constant 0 : i32
        %dma_wait3A_261 = tpu.memref_slice %arg5[%dma_wait3A_258, %dma_wait3A_259, %dma_wait3A_260] : memref<2x32x128xf32, #tpu.memory_space<vmem>> -> memref<1x32x128xf32, #tpu.memory_space<vmem>>
        %dma_wait3A_262 = tpu.memref_squeeze %dma_wait3A_261 : memref<1x32x128xf32, #tpu.memory_space<vmem>> -> memref<32x128xf32, #tpu.memory_space<vmem>>
        %dma_wait3A_263 = arith.constant 0 : i32
        %dma_wait3A_264 = arith.constant 0 : i32
        %dma_wait3A_265 = tpu.memref_slice %arg3[%dma_wait3A_263, %dma_wait3A_264] : memref<250000x128xf32, #tpu.memory_space<hbm>> -> memref<32x128xf32, #tpu.memory_space<hbm>>
        %dma_wait3A_266 = arith.constant 0 : i32
        %dma_wait3A_267 = arith.constant 0 : i32
        %dma_wait3A_268 = tpu.memref_slice %arg3[%dma_wait3A_266, %dma_wait3A_267] : memref<250000x128xf32, #tpu.memory_space<hbm>> -> memref<32x128xf32, #tpu.memory_space<hbm>>
        %dma_wait3A_269 = arith.constant 0 : i32
        %dma_wait3A_270 = arith.constant 0 : i32
        %dma_wait3A_271 = tpu.memref_slice %arg5[%dma_wait3A_258, %dma_wait3A_269, %dma_wait3A_270] : memref<2x32x128xf32, #tpu.memory_space<vmem>> -> memref<1x32x128xf32, #tpu.memory_space<vmem>>
        %dma_wait3A_272 = tpu.memref_squeeze %dma_wait3A_271 : memref<1x32x128xf32, #tpu.memory_space<vmem>> -> memref<32x128xf32, #tpu.memory_space<vmem>>
        tpu.wait_dma2 semaphore(%arg9 : memref<!tpu.dma_semaphore, #tpu.memory_space<semaphore_mem>>) src(%dma_wait3A_272 : memref<32x128xf32, #tpu.memory_space<vmem>>) dst(%dma_wait3A_268 : memref<32x128xf32, #tpu.memory_space<hbm>>)
      } else {
      }
      %scan3A_161 = arith.constant 1 : i32
      %scan3A_162 = arith.constant 1 : i32
      %scan3A_163 = arith.constant 0 : i32
      %scan3A_164 = arith.constant 16 : i32
      %scan3A_165 = arith.addi %scan3A_163, %scan3A_164 : i32
      %scan3A_166 = arith.constant 1 : i32
      scf.for %scan3A_258 = %scan3A_163 to %scan3A_165 step %scan3A_166  : i32 {
        %mul3A_259 = arith.constant 1 : i32
        %mul3A_260 = arith.muli %scan3A_258, %mul3A_259 : i32
        %add3A_261 = arith.constant 0 : i32
        %add3A_262 = arith.addi %add3A_261, %mul3A_260 : i32
        %add3A_263 = vector.broadcast %add3A_262 : i32 to vector<16xi32>
        %add3A_264 = arith.addi %iota3A, %add3A_263 : vector<16xi32>
        %and3A = arith.constant 15 : i32
        %and3A_265 = vector.broadcast %and3A : i32 to vector<16xi32>
        %and3A_266 = arith.andi %add3A_264, %and3A_265 : vector<16xi32>
        %add3A_267 = arith.constant 0 : i32
        %add3A_268 = vector.broadcast %add3A_267 : i32 to vector<16xi32>
        %add3A_269 = arith.addi %add3A_268, %and3A_266 : vector<16xi32>
        %add3A_270 = arith.constant 0 : i32
        %add3A_271 = vector.broadcast %add3A_270 : i32 to vector<16xi32>
        %add3A_272 = arith.addi %add3A_271, %iota3A : vector<16xi32>
        %gather3A = arith.constant 0 : i32
        %gather3A_273 = arith.constant 0 : i32
        %gather3A_274 = tpu.memref_slice %arg4[%scan3A_161, %gather3A, %gather3A_273] : memref<2x32x128xf32, #tpu.memory_space<vmem>> -> memref<1x32x128xf32, #tpu.memory_space<vmem>>
        %gather3A_275 = tpu.memref_squeeze %gather3A_274 : memref<1x32x128xf32, #tpu.memory_space<vmem>> -> memref<32x128xf32, #tpu.memory_space<vmem>>
        %gather3A_276 = tpu.vector_load_idx %gather3A_275[%add3A_272, %add3A_269] : memref<32x128xf32, #tpu.memory_space<vmem>>[vector<16xi32>, vector<16xi32>], vector<16xf32>,
        %add3A_277 = arith.constant 16 : i32
        %add3A_278 = vector.broadcast %add3A_277 : i32 to vector<16xi32>
        %add3A_279 = arith.addi %add3A_278, %iota3A : vector<16xi32>
        %gather3A_280 = arith.constant 0 : i32
        %gather3A_281 = arith.constant 0 : i32
        %gather3A_282 = tpu.memref_slice %arg4[%scan3A_161, %gather3A_280, %gather3A_281] : memref<2x32x128xf32, #tpu.memory_space<vmem>> -> memref<1x32x128xf32, #tpu.memory_space<vmem>>
        %gather3A_283 = tpu.memref_squeeze %gather3A_282 : memref<1x32x128xf32, #tpu.memory_space<vmem>> -> memref<32x128xf32, #tpu.memory_space<vmem>>
        %gather3A_284 = tpu.vector_load_idx %gather3A_283[%add3A_279, %add3A_269] : memref<32x128xf32, #tpu.memory_space<vmem>>[vector<16xi32>, vector<16xi32>], vector<16xf32>,
        %add3A_285 = arith.constant 16 : i32
        %add3A_286 = vector.broadcast %add3A_285 : i32 to vector<16xi32>
        %add3A_287 = arith.addi %add3A_286, %and3A_266 : vector<16xi32>
        %add3A_288 = arith.constant 0 : i32
        %add3A_289 = vector.broadcast %add3A_288 : i32 to vector<16xi32>
        %add3A_290 = arith.addi %add3A_289, %iota3A : vector<16xi32>
        %gather3A_291 = arith.constant 0 : i32
        %gather3A_292 = arith.constant 0 : i32
        %gather3A_293 = tpu.memref_slice %arg4[%scan3A_161, %gather3A_291, %gather3A_292] : memref<2x32x128xf32, #tpu.memory_space<vmem>> -> memref<1x32x128xf32, #tpu.memory_space<vmem>>
        %gather3A_294 = tpu.memref_squeeze %gather3A_293 : memref<1x32x128xf32, #tpu.memory_space<vmem>> -> memref<32x128xf32, #tpu.memory_space<vmem>>
        %gather3A_295 = tpu.vector_load_idx %gather3A_294[%add3A_290, %add3A_287] : memref<32x128xf32, #tpu.memory_space<vmem>>[vector<16xi32>, vector<16xi32>], vector<16xf32>,
        %add3A_296 = arith.constant 16 : i32
        %add3A_297 = vector.broadcast %add3A_296 : i32 to vector<16xi32>
        %add3A_298 = arith.addi %add3A_297, %iota3A : vector<16xi32>
        %gather3A_299 = arith.constant 0 : i32
        %gather3A_300 = arith.constant 0 : i32
        %gather3A_301 = tpu.memref_slice %arg4[%scan3A_161, %gather3A_299, %gather3A_300] : memref<2x32x128xf32, #tpu.memory_space<vmem>> -> memref<1x32x128xf32, #tpu.memory_space<vmem>>
        %gather3A_302 = tpu.memref_squeeze %gather3A_301 : memref<1x32x128xf32, #tpu.memory_space<vmem>> -> memref<32x128xf32, #tpu.memory_space<vmem>>
        %gather3A_303 = tpu.vector_load_idx %gather3A_302[%add3A_298, %add3A_287] : memref<32x128xf32, #tpu.memory_space<vmem>>[vector<16xi32>, vector<16xi32>], vector<16xf32>,
        %add3A_304 = arith.constant 32 : i32
        %add3A_305 = vector.broadcast %add3A_304 : i32 to vector<16xi32>
        %add3A_306 = arith.addi %add3A_305, %and3A_266 : vector<16xi32>
        %add3A_307 = arith.constant 0 : i32
        %add3A_308 = vector.broadcast %add3A_307 : i32 to vector<16xi32>
        %add3A_309 = arith.addi %add3A_308, %iota3A : vector<16xi32>
        %gather3A_310 = arith.constant 0 : i32
        %gather3A_311 = arith.constant 0 : i32
        %gather3A_312 = tpu.memref_slice %arg4[%scan3A_161, %gather3A_310, %gather3A_311] : memref<2x32x128xf32, #tpu.memory_space<vmem>> -> memref<1x32x128xf32, #tpu.memory_space<vmem>>
        %gather3A_313 = tpu.memref_squeeze %gather3A_312 : memref<1x32x128xf32, #tpu.memory_space<vmem>> -> memref<32x128xf32, #tpu.memory_space<vmem>>
        %gather3A_314 = tpu.vector_load_idx %gather3A_313[%add3A_309, %add3A_306] : memref<32x128xf32, #tpu.memory_space<vmem>>[vector<16xi32>, vector<16xi32>], vector<16xf32>,
        %add3A_315 = arith.constant 16 : i32
        %add3A_316 = vector.broadcast %add3A_315 : i32 to vector<16xi32>
        %add3A_317 = arith.addi %add3A_316, %iota3A : vector<16xi32>
        %gather3A_318 = arith.constant 0 : i32
        %gather3A_319 = arith.constant 0 : i32
        %gather3A_320 = tpu.memref_slice %arg4[%scan3A_161, %gather3A_318, %gather3A_319] : memref<2x32x128xf32, #tpu.memory_space<vmem>> -> memref<1x32x128xf32, #tpu.memory_space<vmem>>
        %gather3A_321 = tpu.memref_squeeze %gather3A_320 : memref<1x32x128xf32, #tpu.memory_space<vmem>> -> memref<32x128xf32, #tpu.memory_space<vmem>>
        %gather3A_322 = tpu.vector_load_idx %gather3A_321[%add3A_317, %add3A_306] : memref<32x128xf32, #tpu.memory_space<vmem>>[vector<16xi32>, vector<16xi32>], vector<16xf32>,
        %add3A_323 = arith.constant 48 : i32
        %add3A_324 = vector.broadcast %add3A_323 : i32 to vector<16xi32>
        %add3A_325 = arith.addi %add3A_324, %and3A_266 : vector<16xi32>
        %add3A_326 = arith.constant 0 : i32
        %add3A_327 = vector.broadcast %add3A_326 : i32 to vector<16xi32>
        %add3A_328 = arith.addi %add3A_327, %iota3A : vector<16xi32>
        %gather3A_329 = arith.constant 0 : i32
        %gather3A_330 = arith.constant 0 : i32
        %gather3A_331 = tpu.memref_slice %arg4[%scan3A_161, %gather3A_329, %gather3A_330] : memref<2x32x128xf32, #tpu.memory_space<vmem>> -> memref<1x32x128xf32, #tpu.memory_space<vmem>>
        %gather3A_332 = tpu.memref_squeeze %gather3A_331 : memref<1x32x128xf32, #tpu.memory_space<vmem>> -> memref<32x128xf32, #tpu.memory_space<vmem>>
        %gather3A_333 = tpu.vector_load_idx %gather3A_332[%add3A_328, %add3A_325] : memref<32x128xf32, #tpu.memory_space<vmem>>[vector<16xi32>, vector<16xi32>], vector<16xf32>,
        %add3A_334 = arith.constant 16 : i32
        %add3A_335 = vector.broadcast %add3A_334 : i32 to vector<16xi32>
        %add3A_336 = arith.addi %add3A_335, %iota3A : vector<16xi32>
        %gather3A_337 = arith.constant 0 : i32
        %gather3A_338 = arith.constant 0 : i32
        %gather3A_339 = tpu.memref_slice %arg4[%scan3A_161, %gather3A_337, %gather3A_338] : memref<2x32x128xf32, #tpu.memory_space<vmem>> -> memref<1x32x128xf32, #tpu.memory_space<vmem>>
        %gather3A_340 = tpu.memref_squeeze %gather3A_339 : memref<1x32x128xf32, #tpu.memory_space<vmem>> -> memref<32x128xf32, #tpu.memory_space<vmem>>
        %gather3A_341 = tpu.vector_load_idx %gather3A_340[%add3A_336, %add3A_325] : memref<32x128xf32, #tpu.memory_space<vmem>>[vector<16xi32>, vector<16xi32>], vector<16xf32>,
        %add3A_342 = arith.constant 64 : i32
        %add3A_343 = vector.broadcast %add3A_342 : i32 to vector<16xi32>
        %add3A_344 = arith.addi %add3A_343, %and3A_266 : vector<16xi32>
        %add3A_345 = arith.constant 0 : i32
        %add3A_346 = vector.broadcast %add3A_345 : i32 to vector<16xi32>
        %add3A_347 = arith.addi %add3A_346, %iota3A : vector<16xi32>
        %gather3A_348 = arith.constant 0 : i32
        %gather3A_349 = arith.constant 0 : i32
        %gather3A_350 = tpu.memref_slice %arg4[%scan3A_161, %gather3A_348, %gather3A_349] : memref<2x32x128xf32, #tpu.memory_space<vmem>> -> memref<1x32x128xf32, #tpu.memory_space<vmem>>
        %gather3A_351 = tpu.memref_squeeze %gather3A_350 : memref<1x32x128xf32, #tpu.memory_space<vmem>> -> memref<32x128xf32, #tpu.memory_space<vmem>>
        %gather3A_352 = tpu.vector_load_idx %gather3A_351[%add3A_347, %add3A_344] : memref<32x128xf32, #tpu.memory_space<vmem>>[vector<16xi32>, vector<16xi32>], vector<16xf32>,
        %add3A_353 = arith.constant 16 : i32
        %add3A_354 = vector.broadcast %add3A_353 : i32 to vector<16xi32>
        %add3A_355 = arith.addi %add3A_354, %iota3A : vector<16xi32>
        %gather3A_356 = arith.constant 0 : i32
        %gather3A_357 = arith.constant 0 : i32
        %gather3A_358 = tpu.memref_slice %arg4[%scan3A_161, %gather3A_356, %gather3A_357] : memref<2x32x128xf32, #tpu.memory_space<vmem>> -> memref<1x32x128xf32, #tpu.memory_space<vmem>>
        %gather3A_359 = tpu.memref_squeeze %gather3A_358 : memref<1x32x128xf32, #tpu.memory_space<vmem>> -> memref<32x128xf32, #tpu.memory_space<vmem>>
        %gather3A_360 = tpu.vector_load_idx %gather3A_359[%add3A_355, %add3A_344] : memref<32x128xf32, #tpu.memory_space<vmem>>[vector<16xi32>, vector<16xi32>], vector<16xf32>,
        %add3A_361 = arith.constant 80 : i32
        %add3A_362 = vector.broadcast %add3A_361 : i32 to vector<16xi32>
        %add3A_363 = arith.addi %add3A_362, %and3A_266 : vector<16xi32>
        %add3A_364 = arith.constant 0 : i32
        %add3A_365 = vector.broadcast %add3A_364 : i32 to vector<16xi32>
        %add3A_366 = arith.addi %add3A_365, %iota3A : vector<16xi32>
        %gather3A_367 = arith.constant 0 : i32
        %gather3A_368 = arith.constant 0 : i32
        %gather3A_369 = tpu.memref_slice %arg4[%scan3A_161, %gather3A_367, %gather3A_368] : memref<2x32x128xf32, #tpu.memory_space<vmem>> -> memref<1x32x128xf32, #tpu.memory_space<vmem>>
        %gather3A_370 = tpu.memref_squeeze %gather3A_369 : memref<1x32x128xf32, #tpu.memory_space<vmem>> -> memref<32x128xf32, #tpu.memory_space<vmem>>
        %gather3A_371 = tpu.vector_load_idx %gather3A_370[%add3A_366, %add3A_363] : memref<32x128xf32, #tpu.memory_space<vmem>>[vector<16xi32>, vector<16xi32>], vector<16xf32>,
        %add3A_372 = arith.constant 16 : i32
        %add3A_373 = vector.broadcast %add3A_372 : i32 to vector<16xi32>
        %add3A_374 = arith.addi %add3A_373, %iota3A : vector<16xi32>
        %gather3A_375 = arith.constant 0 : i32
        %gather3A_376 = arith.constant 0 : i32
        %gather3A_377 = tpu.memref_slice %arg4[%scan3A_161, %gather3A_375, %gather3A_376] : memref<2x32x128xf32, #tpu.memory_space<vmem>> -> memref<1x32x128xf32, #tpu.memory_space<vmem>>
        %gather3A_378 = tpu.memref_squeeze %gather3A_377 : memref<1x32x128xf32, #tpu.memory_space<vmem>> -> memref<32x128xf32, #tpu.memory_space<vmem>>
        %gather3A_379 = tpu.vector_load_idx %gather3A_378[%add3A_374, %add3A_363] : memref<32x128xf32, #tpu.memory_space<vmem>>[vector<16xi32>, vector<16xi32>], vector<16xf32>,
        %add3A_380 = arith.constant 96 : i32
        %add3A_381 = vector.broadcast %add3A_380 : i32 to vector<16xi32>
        %add3A_382 = arith.addi %add3A_381, %and3A_266 : vector<16xi32>
        %add3A_383 = arith.constant 0 : i32
        %add3A_384 = vector.broadcast %add3A_383 : i32 to vector<16xi32>
        %add3A_385 = arith.addi %add3A_384, %iota3A : vector<16xi32>
        %gather3A_386 = arith.constant 0 : i32
        %gather3A_387 = arith.constant 0 : i32
        %gather3A_388 = tpu.memref_slice %arg4[%scan3A_161, %gather3A_386, %gather3A_387] : memref<2x32x128xf32, #tpu.memory_space<vmem>> -> memref<1x32x128xf32, #tpu.memory_space<vmem>>
        %gather3A_389 = tpu.memref_squeeze %gather3A_388 : memref<1x32x128xf32, #tpu.memory_space<vmem>> -> memref<32x128xf32, #tpu.memory_space<vmem>>
        %gather3A_390 = tpu.vector_load_idx %gather3A_389[%add3A_385, %add3A_382] : memref<32x128xf32, #tpu.memory_space<vmem>>[vector<16xi32>, vector<16xi32>], vector<16xf32>,
        %add3A_391 = arith.constant 16 : i32
        %add3A_392 = vector.broadcast %add3A_391 : i32 to vector<16xi32>
        %add3A_393 = arith.addi %add3A_392, %iota3A : vector<16xi32>
        %gather3A_394 = arith.constant 0 : i32
        %gather3A_395 = arith.constant 0 : i32
        %gather3A_396 = tpu.memref_slice %arg4[%scan3A_161, %gather3A_394, %gather3A_395] : memref<2x32x128xf32, #tpu.memory_space<vmem>> -> memref<1x32x128xf32, #tpu.memory_space<vmem>>
        %gather3A_397 = tpu.memref_squeeze %gather3A_396 : memref<1x32x128xf32, #tpu.memory_space<vmem>> -> memref<32x128xf32, #tpu.memory_space<vmem>>
        %gather3A_398 = tpu.vector_load_idx %gather3A_397[%add3A_393, %add3A_382] : memref<32x128xf32, #tpu.memory_space<vmem>>[vector<16xi32>, vector<16xi32>], vector<16xf32>,
        %add3A_399 = arith.constant 112 : i32
        %add3A_400 = vector.broadcast %add3A_399 : i32 to vector<16xi32>
        %add3A_401 = arith.addi %add3A_400, %and3A_266 : vector<16xi32>
        %add3A_402 = arith.constant 0 : i32
        %add3A_403 = vector.broadcast %add3A_402 : i32 to vector<16xi32>
        %add3A_404 = arith.addi %add3A_403, %iota3A : vector<16xi32>
        %gather3A_405 = arith.constant 0 : i32
        %gather3A_406 = arith.constant 0 : i32
        %gather3A_407 = tpu.memref_slice %arg4[%scan3A_161, %gather3A_405, %gather3A_406] : memref<2x32x128xf32, #tpu.memory_space<vmem>> -> memref<1x32x128xf32, #tpu.memory_space<vmem>>
        %gather3A_408 = tpu.memref_squeeze %gather3A_407 : memref<1x32x128xf32, #tpu.memory_space<vmem>> -> memref<32x128xf32, #tpu.memory_space<vmem>>
        %gather3A_409 = tpu.vector_load_idx %gather3A_408[%add3A_404, %add3A_401] : memref<32x128xf32, #tpu.memory_space<vmem>>[vector<16xi32>, vector<16xi32>], vector<16xf32>,
        %add3A_410 = arith.constant 16 : i32
        %add3A_411 = vector.broadcast %add3A_410 : i32 to vector<16xi32>
        %add3A_412 = arith.addi %add3A_411, %iota3A : vector<16xi32>
        %gather3A_413 = arith.constant 0 : i32
        %gather3A_414 = arith.constant 0 : i32
        %gather3A_415 = tpu.memref_slice %arg4[%scan3A_161, %gather3A_413, %gather3A_414] : memref<2x32x128xf32, #tpu.memory_space<vmem>> -> memref<1x32x128xf32, #tpu.memory_space<vmem>>
        %gather3A_416 = tpu.memref_squeeze %gather3A_415 : memref<1x32x128xf32, #tpu.memory_space<vmem>> -> memref<32x128xf32, #tpu.memory_space<vmem>>
        %gather3A_417 = tpu.vector_load_idx %gather3A_416[%add3A_412, %add3A_401] : memref<32x128xf32, #tpu.memory_space<vmem>>[vector<16xi32>, vector<16xi32>], vector<16xf32>,
        %add3A_418 = arith.constant 0 : i32
        %add3A_419 = vector.broadcast %add3A_418 : i32 to vector<16xi32>
        %add3A_420 = arith.addi %add3A_419, %and3A_266 : vector<16xi32>
        %shift_right_arithmetic3A = arith.constant 2 : i32
        %shift_right_arithmetic3A_421 = vector.broadcast %shift_right_arithmetic3A : i32 to vector<16xi32>
        %shift_right_arithmetic3A_422 = arith.shrsi %add3A_420, %shift_right_arithmetic3A_421 : vector<16xi32>
        %and3A_423 = arith.constant 3 : i32
        %and3A_424 = vector.broadcast %and3A_423 : i32 to vector<16xi32>
        %and3A_425 = arith.andi %add3A_420, %and3A_424 : vector<16xi32>
        %shift_left3A = arith.constant 5 : i32
        %shift_left3A_426 = vector.broadcast %shift_left3A : i32 to vector<16xi32>
        %shift_left3A_427 = arith.shli %and3A_425, %shift_left3A_426 : vector<16xi32>
        %add3A_428 = arith.addi %shift_left3A_427, %iota3A : vector<16xi32>
        %add3A_429 = arith.constant 0 : i32
        %add3A_430 = vector.broadcast %add3A_429 : i32 to vector<16xi32>
        %add3A_431 = arith.addi %add3A_428, %add3A_430 : vector<16xi32>
        %scatter3A = arith.constant 0 : i32
        %scatter3A_432 = arith.constant 0 : i32
        %scatter3A_433 = tpu.memref_slice %arg5[%scan3A_162, %scatter3A, %scatter3A_432] : memref<2x32x128xf32, #tpu.memory_space<vmem>> -> memref<1x32x128xf32, #tpu.memory_space<vmem>>
        %scatter3A_434 = tpu.memref_squeeze %scatter3A_433 : memref<1x32x128xf32, #tpu.memory_space<vmem>> -> memref<32x128xf32, #tpu.memory_space<vmem>>
        tpu.vector_store_idx %scatter3A_434[%shift_right_arithmetic3A_422, %add3A_431], %gather3A_276 : memref<32x128xf32, #tpu.memory_space<vmem>>[vector<16xi32>, vector<16xi32>], vector<16xf32>,
        %add3A_435 = arith.constant 16 : i32
        %add3A_436 = vector.broadcast %add3A_435 : i32 to vector<16xi32>
        %add3A_437 = arith.addi %add3A_428, %add3A_436 : vector<16xi32>
        %scatter3A_438 = arith.constant 0 : i32
        %scatter3A_439 = arith.constant 0 : i32
        %scatter3A_440 = tpu.memref_slice %arg5[%scan3A_162, %scatter3A_438, %scatter3A_439] : memref<2x32x128xf32, #tpu.memory_space<vmem>> -> memref<1x32x128xf32, #tpu.memory_space<vmem>>
        %scatter3A_441 = tpu.memref_squeeze %scatter3A_440 : memref<1x32x128xf32, #tpu.memory_space<vmem>> -> memref<32x128xf32, #tpu.memory_space<vmem>>
        tpu.vector_store_idx %scatter3A_441[%shift_right_arithmetic3A_422, %add3A_437], %gather3A_284 : memref<32x128xf32, #tpu.memory_space<vmem>>[vector<16xi32>, vector<16xi32>], vector<16xf32>,
        %add3A_442 = arith.constant 16 : i32
        %add3A_443 = vector.broadcast %add3A_442 : i32 to vector<16xi32>
        %add3A_444 = arith.addi %add3A_443, %and3A_266 : vector<16xi32>
        %shift_right_arithmetic3A_445 = arith.constant 2 : i32
        %shift_right_arithmetic3A_446 = vector.broadcast %shift_right_arithmetic3A_445 : i32 to vector<16xi32>
        %shift_right_arithmetic3A_447 = arith.shrsi %add3A_444, %shift_right_arithmetic3A_446 : vector<16xi32>
        %and3A_448 = arith.constant 3 : i32
        %and3A_449 = vector.broadcast %and3A_448 : i32 to vector<16xi32>
        %and3A_450 = arith.andi %add3A_444, %and3A_449 : vector<16xi32>
        %shift_left3A_451 = arith.constant 5 : i32
        %shift_left3A_452 = vector.broadcast %shift_left3A_451 : i32 to vector<16xi32>
        %shift_left3A_453 = arith.shli %and3A_450, %shift_left3A_452 : vector<16xi32>
        %add3A_454 = arith.addi %shift_left3A_453, %iota3A : vector<16xi32>
        %add3A_455 = arith.constant 0 : i32
        %add3A_456 = vector.broadcast %add3A_455 : i32 to vector<16xi32>
        %add3A_457 = arith.addi %add3A_454, %add3A_456 : vector<16xi32>
        %scatter3A_458 = arith.constant 0 : i32
        %scatter3A_459 = arith.constant 0 : i32
        %scatter3A_460 = tpu.memref_slice %arg5[%scan3A_162, %scatter3A_458, %scatter3A_459] : memref<2x32x128xf32, #tpu.memory_space<vmem>> -> memref<1x32x128xf32, #tpu.memory_space<vmem>>
        %scatter3A_461 = tpu.memref_squeeze %scatter3A_460 : memref<1x32x128xf32, #tpu.memory_space<vmem>> -> memref<32x128xf32, #tpu.memory_space<vmem>>
        tpu.vector_store_idx %scatter3A_461[%shift_right_arithmetic3A_447, %add3A_457], %gather3A_295 : memref<32x128xf32, #tpu.memory_space<vmem>>[vector<16xi32>, vector<16xi32>], vector<16xf32>,
        %add3A_462 = arith.constant 16 : i32
        %add3A_463 = vector.broadcast %add3A_462 : i32 to vector<16xi32>
        %add3A_464 = arith.addi %add3A_454, %add3A_463 : vector<16xi32>
        %scatter3A_465 = arith.constant 0 : i32
        %scatter3A_466 = arith.constant 0 : i32
        %scatter3A_467 = tpu.memref_slice %arg5[%scan3A_162, %scatter3A_465, %scatter3A_466] : memref<2x32x128xf32, #tpu.memory_space<vmem>> -> memref<1x32x128xf32, #tpu.memory_space<vmem>>
        %scatter3A_468 = tpu.memref_squeeze %scatter3A_467 : memref<1x32x128xf32, #tpu.memory_space<vmem>> -> memref<32x128xf32, #tpu.memory_space<vmem>>
        tpu.vector_store_idx %scatter3A_468[%shift_right_arithmetic3A_447, %add3A_464], %gather3A_303 : memref<32x128xf32, #tpu.memory_space<vmem>>[vector<16xi32>, vector<16xi32>], vector<16xf32>,
        %add3A_469 = arith.constant 32 : i32
        %add3A_470 = vector.broadcast %add3A_469 : i32 to vector<16xi32>
        %add3A_471 = arith.addi %add3A_470, %and3A_266 : vector<16xi32>
        %shift_right_arithmetic3A_472 = arith.constant 2 : i32
        %shift_right_arithmetic3A_473 = vector.broadcast %shift_right_arithmetic3A_472 : i32 to vector<16xi32>
        %shift_right_arithmetic3A_474 = arith.shrsi %add3A_471, %shift_right_arithmetic3A_473 : vector<16xi32>
        %and3A_475 = arith.constant 3 : i32
        %and3A_476 = vector.broadcast %and3A_475 : i32 to vector<16xi32>
        %and3A_477 = arith.andi %add3A_471, %and3A_476 : vector<16xi32>
        %shift_left3A_478 = arith.constant 5 : i32
        %shift_left3A_479 = vector.broadcast %shift_left3A_478 : i32 to vector<16xi32>
        %shift_left3A_480 = arith.shli %and3A_477, %shift_left3A_479 : vector<16xi32>
        %add3A_481 = arith.addi %shift_left3A_480, %iota3A : vector<16xi32>
        %add3A_482 = arith.constant 0 : i32
        %add3A_483 = vector.broadcast %add3A_482 : i32 to vector<16xi32>
        %add3A_484 = arith.addi %add3A_481, %add3A_483 : vector<16xi32>
        %scatter3A_485 = arith.constant 0 : i32
        %scatter3A_486 = arith.constant 0 : i32
        %scatter3A_487 = tpu.memref_slice %arg5[%scan3A_162, %scatter3A_485, %scatter3A_486] : memref<2x32x128xf32, #tpu.memory_space<vmem>> -> memref<1x32x128xf32, #tpu.memory_space<vmem>>
        %scatter3A_488 = tpu.memref_squeeze %scatter3A_487 : memref<1x32x128xf32, #tpu.memory_space<vmem>> -> memref<32x128xf32, #tpu.memory_space<vmem>>
        tpu.vector_store_idx %scatter3A_488[%shift_right_arithmetic3A_474, %add3A_484], %gather3A_314 : memref<32x128xf32, #tpu.memory_space<vmem>>[vector<16xi32>, vector<16xi32>], vector<16xf32>,
        %add3A_489 = arith.constant 16 : i32
        %add3A_490 = vector.broadcast %add3A_489 : i32 to vector<16xi32>
        %add3A_491 = arith.addi %add3A_481, %add3A_490 : vector<16xi32>
        %scatter3A_492 = arith.constant 0 : i32
        %scatter3A_493 = arith.constant 0 : i32
        %scatter3A_494 = tpu.memref_slice %arg5[%scan3A_162, %scatter3A_492, %scatter3A_493] : memref<2x32x128xf32, #tpu.memory_space<vmem>> -> memref<1x32x128xf32, #tpu.memory_space<vmem>>
        %scatter3A_495 = tpu.memref_squeeze %scatter3A_494 : memref<1x32x128xf32, #tpu.memory_space<vmem>> -> memref<32x128xf32, #tpu.memory_space<vmem>>
        tpu.vector_store_idx %scatter3A_495[%shift_right_arithmetic3A_474, %add3A_491], %gather3A_322 : memref<32x128xf32, #tpu.memory_space<vmem>>[vector<16xi32>, vector<16xi32>], vector<16xf32>,
        %add3A_496 = arith.constant 48 : i32
        %add3A_497 = vector.broadcast %add3A_496 : i32 to vector<16xi32>
        %add3A_498 = arith.addi %add3A_497, %and3A_266 : vector<16xi32>
        %shift_right_arithmetic3A_499 = arith.constant 2 : i32
        %shift_right_arithmetic3A_500 = vector.broadcast %shift_right_arithmetic3A_499 : i32 to vector<16xi32>
        %shift_right_arithmetic3A_501 = arith.shrsi %add3A_498, %shift_right_arithmetic3A_500 : vector<16xi32>
        %and3A_502 = arith.constant 3 : i32
        %and3A_503 = vector.broadcast %and3A_502 : i32 to vector<16xi32>
        %and3A_504 = arith.andi %add3A_498, %and3A_503 : vector<16xi32>
        %shift_left3A_505 = arith.constant 5 : i32
        %shift_left3A_506 = vector.broadcast %shift_left3A_505 : i32 to vector<16xi32>
        %shift_left3A_507 = arith.shli %and3A_504, %shift_left3A_506 : vector<16xi32>
        %add3A_508 = arith.addi %shift_left3A_507, %iota3A : vector<16xi32>
        %add3A_509 = arith.constant 0 : i32
        %add3A_510 = vector.broadcast %add3A_509 : i32 to vector<16xi32>
        %add3A_511 = arith.addi %add3A_508, %add3A_510 : vector<16xi32>
        %scatter3A_512 = arith.constant 0 : i32
        %scatter3A_513 = arith.constant 0 : i32
        %scatter3A_514 = tpu.memref_slice %arg5[%scan3A_162, %scatter3A_512, %scatter3A_513] : memref<2x32x128xf32, #tpu.memory_space<vmem>> -> memref<1x32x128xf32, #tpu.memory_space<vmem>>
        %scatter3A_515 = tpu.memref_squeeze %scatter3A_514 : memref<1x32x128xf32, #tpu.memory_space<vmem>> -> memref<32x128xf32, #tpu.memory_space<vmem>>
        tpu.vector_store_idx %scatter3A_515[%shift_right_arithmetic3A_501, %add3A_511], %gather3A_333 : memref<32x128xf32, #tpu.memory_space<vmem>>[vector<16xi32>, vector<16xi32>], vector<16xf32>,
        %add3A_516 = arith.constant 16 : i32
        %add3A_517 = vector.broadcast %add3A_516 : i32 to vector<16xi32>
        %add3A_518 = arith.addi %add3A_508, %add3A_517 : vector<16xi32>
        %scatter3A_519 = arith.constant 0 : i32
        %scatter3A_520 = arith.constant 0 : i32
        %scatter3A_521 = tpu.memref_slice %arg5[%scan3A_162, %scatter3A_519, %scatter3A_520] : memref<2x32x128xf32, #tpu.memory_space<vmem>> -> memref<1x32x128xf32, #tpu.memory_space<vmem>>
        %scatter3A_522 = tpu.memref_squeeze %scatter3A_521 : memref<1x32x128xf32, #tpu.memory_space<vmem>> -> memref<32x128xf32, #tpu.memory_space<vmem>>
        tpu.vector_store_idx %scatter3A_522[%shift_right_arithmetic3A_501, %add3A_518], %gather3A_341 : memref<32x128xf32, #tpu.memory_space<vmem>>[vector<16xi32>, vector<16xi32>], vector<16xf32>,
        %add3A_523 = arith.constant 64 : i32
        %add3A_524 = vector.broadcast %add3A_523 : i32 to vector<16xi32>
        %add3A_525 = arith.addi %add3A_524, %and3A_266 : vector<16xi32>
        %shift_right_arithmetic3A_526 = arith.constant 2 : i32
        %shift_right_arithmetic3A_527 = vector.broadcast %shift_right_arithmetic3A_526 : i32 to vector<16xi32>
        %shift_right_arithmetic3A_528 = arith.shrsi %add3A_525, %shift_right_arithmetic3A_527 : vector<16xi32>
        %and3A_529 = arith.constant 3 : i32
        %and3A_530 = vector.broadcast %and3A_529 : i32 to vector<16xi32>
        %and3A_531 = arith.andi %add3A_525, %and3A_530 : vector<16xi32>
        %shift_left3A_532 = arith.constant 5 : i32
        %shift_left3A_533 = vector.broadcast %shift_left3A_532 : i32 to vector<16xi32>
        %shift_left3A_534 = arith.shli %and3A_531, %shift_left3A_533 : vector<16xi32>
        %add3A_535 = arith.addi %shift_left3A_534, %iota3A : vector<16xi32>
        %add3A_536 = arith.constant 0 : i32
        %add3A_537 = vector.broadcast %add3A_536 : i32 to vector<16xi32>
        %add3A_538 = arith.addi %add3A_535, %add3A_537 : vector<16xi32>
        %scatter3A_539 = arith.constant 0 : i32
        %scatter3A_540 = arith.constant 0 : i32
        %scatter3A_541 = tpu.memref_slice %arg5[%scan3A_162, %scatter3A_539, %scatter3A_540] : memref<2x32x128xf32, #tpu.memory_space<vmem>> -> memref<1x32x128xf32, #tpu.memory_space<vmem>>
        %scatter3A_542 = tpu.memref_squeeze %scatter3A_541 : memref<1x32x128xf32, #tpu.memory_space<vmem>> -> memref<32x128xf32, #tpu.memory_space<vmem>>
        tpu.vector_store_idx %scatter3A_542[%shift_right_arithmetic3A_528, %add3A_538], %gather3A_352 : memref<32x128xf32, #tpu.memory_space<vmem>>[vector<16xi32>, vector<16xi32>], vector<16xf32>,
        %add3A_543 = arith.constant 16 : i32
        %add3A_544 = vector.broadcast %add3A_543 : i32 to vector<16xi32>
        %add3A_545 = arith.addi %add3A_535, %add3A_544 : vector<16xi32>
        %scatter3A_546 = arith.constant 0 : i32
        %scatter3A_547 = arith.constant 0 : i32
        %scatter3A_548 = tpu.memref_slice %arg5[%scan3A_162, %scatter3A_546, %scatter3A_547] : memref<2x32x128xf32, #tpu.memory_space<vmem>> -> memref<1x32x128xf32, #tpu.memory_space<vmem>>
        %scatter3A_549 = tpu.memref_squeeze %scatter3A_548 : memref<1x32x128xf32, #tpu.memory_space<vmem>> -> memref<32x128xf32, #tpu.memory_space<vmem>>
        tpu.vector_store_idx %scatter3A_549[%shift_right_arithmetic3A_528, %add3A_545], %gather3A_360 : memref<32x128xf32, #tpu.memory_space<vmem>>[vector<16xi32>, vector<16xi32>], vector<16xf32>,
        %add3A_550 = arith.constant 80 : i32
        %add3A_551 = vector.broadcast %add3A_550 : i32 to vector<16xi32>
        %add3A_552 = arith.addi %add3A_551, %and3A_266 : vector<16xi32>
        %shift_right_arithmetic3A_553 = arith.constant 2 : i32
        %shift_right_arithmetic3A_554 = vector.broadcast %shift_right_arithmetic3A_553 : i32 to vector<16xi32>
        %shift_right_arithmetic3A_555 = arith.shrsi %add3A_552, %shift_right_arithmetic3A_554 : vector<16xi32>
        %and3A_556 = arith.constant 3 : i32
        %and3A_557 = vector.broadcast %and3A_556 : i32 to vector<16xi32>
        %and3A_558 = arith.andi %add3A_552, %and3A_557 : vector<16xi32>
        %shift_left3A_559 = arith.constant 5 : i32
        %shift_left3A_560 = vector.broadcast %shift_left3A_559 : i32 to vector<16xi32>
        %shift_left3A_561 = arith.shli %and3A_558, %shift_left3A_560 : vector<16xi32>
        %add3A_562 = arith.addi %shift_left3A_561, %iota3A : vector<16xi32>
        %add3A_563 = arith.constant 0 : i32
        %add3A_564 = vector.broadcast %add3A_563 : i32 to vector<16xi32>
        %add3A_565 = arith.addi %add3A_562, %add3A_564 : vector<16xi32>
        %scatter3A_566 = arith.constant 0 : i32
        %scatter3A_567 = arith.constant 0 : i32
        %scatter3A_568 = tpu.memref_slice %arg5[%scan3A_162, %scatter3A_566, %scatter3A_567] : memref<2x32x128xf32, #tpu.memory_space<vmem>> -> memref<1x32x128xf32, #tpu.memory_space<vmem>>
        %scatter3A_569 = tpu.memref_squeeze %scatter3A_568 : memref<1x32x128xf32, #tpu.memory_space<vmem>> -> memref<32x128xf32, #tpu.memory_space<vmem>>
        tpu.vector_store_idx %scatter3A_569[%shift_right_arithmetic3A_555, %add3A_565], %gather3A_371 : memref<32x128xf32, #tpu.memory_space<vmem>>[vector<16xi32>, vector<16xi32>], vector<16xf32>,
        %add3A_570 = arith.constant 16 : i32
        %add3A_571 = vector.broadcast %add3A_570 : i32 to vector<16xi32>
        %add3A_572 = arith.addi %add3A_562, %add3A_571 : vector<16xi32>
        %scatter3A_573 = arith.constant 0 : i32
        %scatter3A_574 = arith.constant 0 : i32
        %scatter3A_575 = tpu.memref_slice %arg5[%scan3A_162, %scatter3A_573, %scatter3A_574] : memref<2x32x128xf32, #tpu.memory_space<vmem>> -> memref<1x32x128xf32, #tpu.memory_space<vmem>>
        %scatter3A_576 = tpu.memref_squeeze %scatter3A_575 : memref<1x32x128xf32, #tpu.memory_space<vmem>> -> memref<32x128xf32, #tpu.memory_space<vmem>>
        tpu.vector_store_idx %scatter3A_576[%shift_right_arithmetic3A_555, %add3A_572], %gather3A_379 : memref<32x128xf32, #tpu.memory_space<vmem>>[vector<16xi32>, vector<16xi32>], vector<16xf32>,
        %add3A_577 = arith.constant 96 : i32
        %add3A_578 = vector.broadcast %add3A_577 : i32 to vector<16xi32>
        %add3A_579 = arith.addi %add3A_578, %and3A_266 : vector<16xi32>
        %shift_right_arithmetic3A_580 = arith.constant 2 : i32
        %shift_right_arithmetic3A_581 = vector.broadcast %shift_right_arithmetic3A_580 : i32 to vector<16xi32>
        %shift_right_arithmetic3A_582 = arith.shrsi %add3A_579, %shift_right_arithmetic3A_581 : vector<16xi32>
        %and3A_583 = arith.constant 3 : i32
        %and3A_584 = vector.broadcast %and3A_583 : i32 to vector<16xi32>
        %and3A_585 = arith.andi %add3A_579, %and3A_584 : vector<16xi32>
        %shift_left3A_586 = arith.constant 5 : i32
        %shift_left3A_587 = vector.broadcast %shift_left3A_586 : i32 to vector<16xi32>
        %shift_left3A_588 = arith.shli %and3A_585, %shift_left3A_587 : vector<16xi32>
        %add3A_589 = arith.addi %shift_left3A_588, %iota3A : vector<16xi32>
        %add3A_590 = arith.constant 0 : i32
        %add3A_591 = vector.broadcast %add3A_590 : i32 to vector<16xi32>
        %add3A_592 = arith.addi %add3A_589, %add3A_591 : vector<16xi32>
        %scatter3A_593 = arith.constant 0 : i32
        %scatter3A_594 = arith.constant 0 : i32
        %scatter3A_595 = tpu.memref_slice %arg5[%scan3A_162, %scatter3A_593, %scatter3A_594] : memref<2x32x128xf32, #tpu.memory_space<vmem>> -> memref<1x32x128xf32, #tpu.memory_space<vmem>>
        %scatter3A_596 = tpu.memref_squeeze %scatter3A_595 : memref<1x32x128xf32, #tpu.memory_space<vmem>> -> memref<32x128xf32, #tpu.memory_space<vmem>>
        tpu.vector_store_idx %scatter3A_596[%shift_right_arithmetic3A_582, %add3A_592], %gather3A_390 : memref<32x128xf32, #tpu.memory_space<vmem>>[vector<16xi32>, vector<16xi32>], vector<16xf32>,
        %add3A_597 = arith.constant 16 : i32
        %add3A_598 = vector.broadcast %add3A_597 : i32 to vector<16xi32>
        %add3A_599 = arith.addi %add3A_589, %add3A_598 : vector<16xi32>
        %scatter3A_600 = arith.constant 0 : i32
        %scatter3A_601 = arith.constant 0 : i32
        %scatter3A_602 = tpu.memref_slice %arg5[%scan3A_162, %scatter3A_600, %scatter3A_601] : memref<2x32x128xf32, #tpu.memory_space<vmem>> -> memref<1x32x128xf32, #tpu.memory_space<vmem>>
        %scatter3A_603 = tpu.memref_squeeze %scatter3A_602 : memref<1x32x128xf32, #tpu.memory_space<vmem>> -> memref<32x128xf32, #tpu.memory_space<vmem>>
        tpu.vector_store_idx %scatter3A_603[%shift_right_arithmetic3A_582, %add3A_599], %gather3A_398 : memref<32x128xf32, #tpu.memory_space<vmem>>[vector<16xi32>, vector<16xi32>], vector<16xf32>,
        %add3A_604 = arith.constant 112 : i32
        %add3A_605 = vector.broadcast %add3A_604 : i32 to vector<16xi32>
        %add3A_606 = arith.addi %add3A_605, %and3A_266 : vector<16xi32>
        %shift_right_arithmetic3A_607 = arith.constant 2 : i32
        %shift_right_arithmetic3A_608 = vector.broadcast %shift_right_arithmetic3A_607 : i32 to vector<16xi32>
        %shift_right_arithmetic3A_609 = arith.shrsi %add3A_606, %shift_right_arithmetic3A_608 : vector<16xi32>
        %and3A_610 = arith.constant 3 : i32
        %and3A_611 = vector.broadcast %and3A_610 : i32 to vector<16xi32>
        %and3A_612 = arith.andi %add3A_606, %and3A_611 : vector<16xi32>
        %shift_left3A_613 = arith.constant 5 : i32
        %shift_left3A_614 = vector.broadcast %shift_left3A_613 : i32 to vector<16xi32>
        %shift_left3A_615 = arith.shli %and3A_612, %shift_left3A_614 : vector<16xi32>
        %add3A_616 = arith.addi %shift_left3A_615, %iota3A : vector<16xi32>
        %add3A_617 = arith.constant 0 : i32
        %add3A_618 = vector.broadcast %add3A_617 : i32 to vector<16xi32>
        %add3A_619 = arith.addi %add3A_616, %add3A_618 : vector<16xi32>
        %scatter3A_620 = arith.constant 0 : i32
        %scatter3A_621 = arith.constant 0 : i32
        %scatter3A_622 = tpu.memref_slice %arg5[%scan3A_162, %scatter3A_620, %scatter3A_621] : memref<2x32x128xf32, #tpu.memory_space<vmem>> -> memref<1x32x128xf32, #tpu.memory_space<vmem>>
        %scatter3A_623 = tpu.memref_squeeze %scatter3A_622 : memref<1x32x128xf32, #tpu.memory_space<vmem>> -> memref<32x128xf32, #tpu.memory_space<vmem>>
        tpu.vector_store_idx %scatter3A_623[%shift_right_arithmetic3A_609, %add3A_619], %gather3A_409 : memref<32x128xf32, #tpu.memory_space<vmem>>[vector<16xi32>, vector<16xi32>], vector<16xf32>,
        %add3A_624 = arith.constant 16 : i32
        %add3A_625 = vector.broadcast %add3A_624 : i32 to vector<16xi32>
        %add3A_626 = arith.addi %add3A_616, %add3A_625 : vector<16xi32>
        %scatter3A_627 = arith.constant 0 : i32
        %scatter3A_628 = arith.constant 0 : i32
        %scatter3A_629 = tpu.memref_slice %arg5[%scan3A_162, %scatter3A_627, %scatter3A_628] : memref<2x32x128xf32, #tpu.memory_space<vmem>> -> memref<1x32x128xf32, #tpu.memory_space<vmem>>
        %scatter3A_630 = tpu.memref_squeeze %scatter3A_629 : memref<1x32x128xf32, #tpu.memory_space<vmem>> -> memref<32x128xf32, #tpu.memory_space<vmem>>
        tpu.vector_store_idx %scatter3A_630[%shift_right_arithmetic3A_609, %add3A_626], %gather3A_417 : memref<32x128xf32, #tpu.memory_space<vmem>>[vector<16xi32>, vector<16xi32>], vector<16xf32>,
      }
      %scan3A_167 = arith.constant 16 : i32
      %add3A_168 = arith.constant 2 : i32
      %add3A_169 = arith.addi %add3A_143, %add3A_168 : i32
      %lt3A = arith.constant 245 : i32
      %lt3A_170 = arith.cmpi slt, %add3A_169, %lt3A : i32
      %convert_element_type3A_171 = arith.extui %lt3A_170 : i1 to i32
      %cond3A_172 = arith.constant 0 : i32
      %cond3A_173 = arith.cmpi ne, %convert_element_type3A_171, %cond3A_172 : i32
      scf.if %cond3A_173 {
        %add3A_258 = arith.constant 2 : i32
        %add3A_259 = arith.addi %add3A_143, %add3A_258 : i32
        %add3A_260 = arith.addi %add3A_4, %add3A_259 : i32
        %min3A_261 = arith.constant 7811 : i32
        %min3A_262 = arith.minsi %add3A_260, %min3A_261 : i32
        %mul3A_263 = arith.constant 128 : i32
        %mul3A_264 = arith.muli %min3A_262, %mul3A_263 : i32
        %dma_start3A_265 = arith.constant 1 : i32
        %dma_start3A_266 = arith.constant 0 : i32
        %dma_start3A_267 = arith.constant 0 : i32
        %dma_start3A_268 = tpu.memref_slice %arg4[%dma_start3A_265, %dma_start3A_266, %dma_start3A_267] : memref<2x32x128xf32, #tpu.memory_space<vmem>> -> memref<1x32x128xf32, #tpu.memory_space<vmem>>
        %dma_start3A_269 = tpu.memref_squeeze %dma_start3A_268 : memref<1x32x128xf32, #tpu.memory_space<vmem>> -> memref<32x128xf32, #tpu.memory_space<vmem>>
        %dma_start3A_270 = arith.constant 0 : i32
        %dma_start3A_271 = tpu.memref_slice %arg2[%dma_start3A_270, %mul3A_264] : memref<32x1000000xf32, #tpu.memory_space<hbm>> -> memref<32x128xf32, #tpu.memory_space<hbm>>
        %dma_start3A_272 = arith.constant 0 : i32
        %dma_start3A_273 = arith.constant 0 : i32
        %dma_start3A_274 = tpu.memref_slice %arg4[%dma_start3A_265, %dma_start3A_272, %dma_start3A_273] : memref<2x32x128xf32, #tpu.memory_space<vmem>> -> memref<1x32x128xf32, #tpu.memory_space<vmem>>
        %dma_start3A_275 = tpu.memref_squeeze %dma_start3A_274 : memref<1x32x128xf32, #tpu.memory_space<vmem>> -> memref<32x128xf32, #tpu.memory_space<vmem>>
        %dma_start3A_276 = arith.constant 0 : i32
        %dma_start3A_277 = tpu.memref_slice %arg2[%dma_start3A_276, %mul3A_264] : memref<32x1000000xf32, #tpu.memory_space<hbm>> -> memref<32x128xf32, #tpu.memory_space<hbm>>
        tpu.enqueue_dma source(%dma_start3A_277 : memref<32x128xf32, #tpu.memory_space<hbm>>) target(%dma_start3A_275 : memref<32x128xf32, #tpu.memory_space<vmem>>) target_semaphore(%arg7 : memref<!tpu.dma_semaphore, #tpu.memory_space<semaphore_mem>>)
      } else {
      }
      %add3A_174 = arith.addi %add3A_4, %add3A_143 : i32
      %min3A_175 = arith.constant 7811 : i32
      %min3A_176 = arith.minsi %add3A_174, %min3A_175 : i32
      %mul3A_177 = arith.constant 32 : i32
      %mul3A_178 = arith.muli %min3A_176, %mul3A_177 : i32
      %dma_start3A_179 = arith.constant 1 : i32
      %dma_start3A_180 = arith.constant 0 : i32
      %dma_start3A_181 = arith.constant 0 : i32
      %dma_start3A_182 = tpu.memref_slice %arg5[%dma_start3A_179, %dma_start3A_180, %dma_start3A_181] : memref<2x32x128xf32, #tpu.memory_space<vmem>> -> memref<1x32x128xf32, #tpu.memory_space<vmem>>
      %dma_start3A_183 = tpu.memref_squeeze %dma_start3A_182 : memref<1x32x128xf32, #tpu.memory_space<vmem>> -> memref<32x128xf32, #tpu.memory_space<vmem>>
      %dma_start3A_184 = arith.constant 0 : i32
      %dma_start3A_185 = tpu.memref_slice %arg3[%mul3A_178, %dma_start3A_184] : memref<250000x128xf32, #tpu.memory_space<hbm>> -> memref<32x128xf32, #tpu.memory_space<hbm>>
      %dma_start3A_186 = arith.constant 0 : i32
      %dma_start3A_187 = tpu.memref_slice %arg3[%mul3A_178, %dma_start3A_186] : memref<250000x128xf32, #tpu.memory_space<hbm>> -> memref<32x128xf32, #tpu.memory_space<hbm>>
      %dma_start3A_188 = arith.constant 0 : i32
      %dma_start3A_189 = arith.constant 0 : i32
      %dma_start3A_190 = tpu.memref_slice %arg5[%dma_start3A_179, %dma_start3A_188, %dma_start3A_189] : memref<2x32x128xf32, #tpu.memory_space<vmem>> -> memref<1x32x128xf32, #tpu.memory_space<vmem>>
      %dma_start3A_191 = tpu.memref_squeeze %dma_start3A_190 : memref<1x32x128xf32, #tpu.memory_space<vmem>> -> memref<32x128xf32, #tpu.memory_space<vmem>>
      tpu.enqueue_dma source(%dma_start3A_191 : memref<32x128xf32, #tpu.memory_space<vmem>>) target(%dma_start3A_187 : memref<32x128xf32, #tpu.memory_space<hbm>>) target_semaphore(%arg9 : memref<!tpu.dma_semaphore, #tpu.memory_space<semaphore_mem>>)
      %mul3A_192 = arith.constant 2 : i32
      %mul3A_193 = arith.muli %mul3A_192, %add3A_139 : i32
      %add3A_194 = arith.constant 2 : i32
      %add3A_195 = arith.addi %mul3A_193, %add3A_194 : i32
      %dma_wait3A_196 = arith.constant 0 : i32
      %dma_wait3A_197 = arith.constant 0 : i32
      %dma_wait3A_198 = arith.constant 0 : i32
      %dma_wait3A_199 = tpu.memref_slice %arg4[%dma_wait3A_196, %dma_wait3A_197, %dma_wait3A_198] : memref<2x32x128xf32, #tpu.memory_space<vmem>> -> memref<1x32x128xf32, #tpu.memory_space<vmem>>
      %dma_wait3A_200 = tpu.memref_squeeze %dma_wait3A_199 : memref<1x32x128xf32, #tpu.memory_space<vmem>> -> memref<32x128xf32, #tpu.memory_space<vmem>>
      %dma_wait3A_201 = arith.constant 0 : i32
      %dma_wait3A_202 = arith.constant 0 : i32
      %dma_wait3A_203 = tpu.memref_slice %arg2[%dma_wait3A_201, %dma_wait3A_202] : memref<32x1000000xf32, #tpu.memory_space<hbm>> -> memref<32x128xf32, #tpu.memory_space<hbm>>
      %dma_wait3A_204 = arith.constant 0 : i32
      %dma_wait3A_205 = arith.constant 0 : i32
      %dma_wait3A_206 = tpu.memref_slice %arg4[%dma_wait3A_196, %dma_wait3A_204, %dma_wait3A_205] : memref<2x32x128xf32, #tpu.memory_space<vmem>> -> memref<1x32x128xf32, #tpu.memory_space<vmem>>
      %dma_wait3A_207 = tpu.memref_squeeze %dma_wait3A_206 : memref<1x32x128xf32, #tpu.memory_space<vmem>> -> memref<32x128xf32, #tpu.memory_space<vmem>>
      %dma_wait3A_208 = arith.constant 0 : i32
      %dma_wait3A_209 = arith.constant 0 : i32
      %dma_wait3A_210 = tpu.memref_slice %arg2[%dma_wait3A_208, %dma_wait3A_209] : memref<32x1000000xf32, #tpu.memory_space<hbm>> -> memref<32x128xf32, #tpu.memory_space<hbm>>
      tpu.wait_dma2 semaphore(%arg6 : memref<!tpu.dma_semaphore, #tpu.memory_space<semaphore_mem>>) src(%dma_wait3A_210 : memref<32x128xf32, #tpu.memory_space<hbm>>) dst(%dma_wait3A_207 : memref<32x128xf32, #tpu.memory_space<vmem>>)
      %dma_wait3A_211 = arith.constant 0 : i32
      %dma_wait3A_212 = arith.constant 0 : i32
      %dma_wait3A_213 = arith.constant 0 : i32
      %dma_wait3A_214 = tpu.memref_slice %arg5[%dma_wait3A_211, %dma_wait3A_212, %dma_wait3A_213] : memref<2x32x128xf32, #tpu.memory_space<vmem>> -> memref<1x32x128xf32, #tpu.memory_space<vmem>>
      %dma_wait3A_215 = tpu.memref_squeeze %dma_wait3A_214 : memref<1x32x128xf32, #tpu.memory_space<vmem>> -> memref<32x128xf32, #tpu.memory_space<vmem>>
      %dma_wait3A_216 = arith.constant 0 : i32
      %dma_wait3A_217 = arith.constant 0 : i32
      %dma_wait3A_218 = tpu.memref_slice %arg3[%dma_wait3A_216, %dma_wait3A_217] : memref<250000x128xf32, #tpu.memory_space<hbm>> -> memref<32x128xf32, #tpu.memory_space<hbm>>
      %dma_wait3A_219 = arith.constant 0 : i32
      %dma_wait3A_220 = arith.constant 0 : i32
      %dma_wait3A_221 = tpu.memref_slice %arg3[%dma_wait3A_219, %dma_wait3A_220] : memref<250000x128xf32, #tpu.memory_space<hbm>> -> memref<32x128xf32, #tpu.memory_space<hbm>>
      %dma_wait3A_222 = arith.constant 0 : i32
      %dma_wait3A_223 = arith.constant 0 : i32
      %dma_wait3A_224 = tpu.memref_slice %arg5[%dma_wait3A_211, %dma_wait3A_222, %dma_wait3A_223] : memref<2x32x128xf32, #tpu.memory_space<vmem>> -> memref<1x32x128xf32, #tpu.memory_space<vmem>>
      %dma_wait3A_225 = tpu.memref_squeeze %dma_wait3A_224 : memref<1x32x128xf32, #tpu.memory_space<vmem>> -> memref<32x128xf32, #tpu.memory_space<vmem>>
      tpu.wait_dma2 semaphore(%arg8 : memref<!tpu.dma_semaphore, #tpu.memory_space<semaphore_mem>>) src(%dma_wait3A_225 : memref<32x128xf32, #tpu.memory_space<vmem>>) dst(%dma_wait3A_221 : memref<32x128xf32, #tpu.memory_space<hbm>>)
      %scan3A_226 = arith.constant 0 : i32
      %scan3A_227 = arith.constant 0 : i32
      %scan3A_228 = arith.constant 0 : i32
      %scan3A_229 = arith.constant 16 : i32
      %scan3A_230 = arith.addi %scan3A_228, %scan3A_229 : i32
      %scan3A_231 = arith.constant 1 : i32
      scf.for %scan3A_258 = %scan3A_228 to %scan3A_230 step %scan3A_231  : i32 {
        %mul3A_259 = arith.constant 1 : i32
        %mul3A_260 = arith.muli %scan3A_258, %mul3A_259 : i32
        %add3A_261 = arith.constant 0 : i32
        %add3A_262 = arith.addi %add3A_261, %mul3A_260 : i32
        %add3A_263 = vector.broadcast %add3A_262 : i32 to vector<16xi32>
        %add3A_264 = arith.addi %iota3A, %add3A_263 : vector<16xi32>
        %and3A = arith.constant 15 : i32
        %and3A_265 = vector.broadcast %and3A : i32 to vector<16xi32>
        %and3A_266 = arith.andi %add3A_264, %and3A_265 : vector<16xi32>
        %add3A_267 = arith.constant 0 : i32
        %add3A_268 = vector.broadcast %add3A_267 : i32 to vector<16xi32>
        %add3A_269 = arith.addi %add3A_268, %and3A_266 : vector<16xi32>
        %add3A_270 = arith.constant 0 : i32
        %add3A_271 = vector.broadcast %add3A_270 : i32 to vector<16xi32>
        %add3A_272 = arith.addi %add3A_271, %iota3A : vector<16xi32>
        %gather3A = arith.constant 0 : i32
        %gather3A_273 = arith.constant 0 : i32
        %gather3A_274 = tpu.memref_slice %arg4[%scan3A_226, %gather3A, %gather3A_273] : memref<2x32x128xf32, #tpu.memory_space<vmem>> -> memref<1x32x128xf32, #tpu.memory_space<vmem>>
        %gather3A_275 = tpu.memref_squeeze %gather3A_274 : memref<1x32x128xf32, #tpu.memory_space<vmem>> -> memref<32x128xf32, #tpu.memory_space<vmem>>
        %gather3A_276 = tpu.vector_load_idx %gather3A_275[%add3A_272, %add3A_269] : memref<32x128xf32, #tpu.memory_space<vmem>>[vector<16xi32>, vector<16xi32>], vector<16xf32>,
        %add3A_277 = arith.constant 16 : i32
        %add3A_278 = vector.broadcast %add3A_277 : i32 to vector<16xi32>
        %add3A_279 = arith.addi %add3A_278, %iota3A : vector<16xi32>
        %gather3A_280 = arith.constant 0 : i32
        %gather3A_281 = arith.constant 0 : i32
        %gather3A_282 = tpu.memref_slice %arg4[%scan3A_226, %gather3A_280, %gather3A_281] : memref<2x32x128xf32, #tpu.memory_space<vmem>> -> memref<1x32x128xf32, #tpu.memory_space<vmem>>
        %gather3A_283 = tpu.memref_squeeze %gather3A_282 : memref<1x32x128xf32, #tpu.memory_space<vmem>> -> memref<32x128xf32, #tpu.memory_space<vmem>>
        %gather3A_284 = tpu.vector_load_idx %gather3A_283[%add3A_279, %add3A_269] : memref<32x128xf32, #tpu.memory_space<vmem>>[vector<16xi32>, vector<16xi32>], vector<16xf32>,
        %add3A_285 = arith.constant 16 : i32
        %add3A_286 = vector.broadcast %add3A_285 : i32 to vector<16xi32>
        %add3A_287 = arith.addi %add3A_286, %and3A_266 : vector<16xi32>
        %add3A_288 = arith.constant 0 : i32
        %add3A_289 = vector.broadcast %add3A_288 : i32 to vector<16xi32>
        %add3A_290 = arith.addi %add3A_289, %iota3A : vector<16xi32>
        %gather3A_291 = arith.constant 0 : i32
        %gather3A_292 = arith.constant 0 : i32
        %gather3A_293 = tpu.memref_slice %arg4[%scan3A_226, %gather3A_291, %gather3A_292] : memref<2x32x128xf32, #tpu.memory_space<vmem>> -> memref<1x32x128xf32, #tpu.memory_space<vmem>>
        %gather3A_294 = tpu.memref_squeeze %gather3A_293 : memref<1x32x128xf32, #tpu.memory_space<vmem>> -> memref<32x128xf32, #tpu.memory_space<vmem>>
        %gather3A_295 = tpu.vector_load_idx %gather3A_294[%add3A_290, %add3A_287] : memref<32x128xf32, #tpu.memory_space<vmem>>[vector<16xi32>, vector<16xi32>], vector<16xf32>,
        %add3A_296 = arith.constant 16 : i32
        %add3A_297 = vector.broadcast %add3A_296 : i32 to vector<16xi32>
        %add3A_298 = arith.addi %add3A_297, %iota3A : vector<16xi32>
        %gather3A_299 = arith.constant 0 : i32
        %gather3A_300 = arith.constant 0 : i32
        %gather3A_301 = tpu.memref_slice %arg4[%scan3A_226, %gather3A_299, %gather3A_300] : memref<2x32x128xf32, #tpu.memory_space<vmem>> -> memref<1x32x128xf32, #tpu.memory_space<vmem>>
        %gather3A_302 = tpu.memref_squeeze %gather3A_301 : memref<1x32x128xf32, #tpu.memory_space<vmem>> -> memref<32x128xf32, #tpu.memory_space<vmem>>
        %gather3A_303 = tpu.vector_load_idx %gather3A_302[%add3A_298, %add3A_287] : memref<32x128xf32, #tpu.memory_space<vmem>>[vector<16xi32>, vector<16xi32>], vector<16xf32>,
        %add3A_304 = arith.constant 32 : i32
        %add3A_305 = vector.broadcast %add3A_304 : i32 to vector<16xi32>
        %add3A_306 = arith.addi %add3A_305, %and3A_266 : vector<16xi32>
        %add3A_307 = arith.constant 0 : i32
        %add3A_308 = vector.broadcast %add3A_307 : i32 to vector<16xi32>
        %add3A_309 = arith.addi %add3A_308, %iota3A : vector<16xi32>
        %gather3A_310 = arith.constant 0 : i32
        %gather3A_311 = arith.constant 0 : i32
        %gather3A_312 = tpu.memref_slice %arg4[%scan3A_226, %gather3A_310, %gather3A_311] : memref<2x32x128xf32, #tpu.memory_space<vmem>> -> memref<1x32x128xf32, #tpu.memory_space<vmem>>
        %gather3A_313 = tpu.memref_squeeze %gather3A_312 : memref<1x32x128xf32, #tpu.memory_space<vmem>> -> memref<32x128xf32, #tpu.memory_space<vmem>>
        %gather3A_314 = tpu.vector_load_idx %gather3A_313[%add3A_309, %add3A_306] : memref<32x128xf32, #tpu.memory_space<vmem>>[vector<16xi32>, vector<16xi32>], vector<16xf32>,
        %add3A_315 = arith.constant 16 : i32
        %add3A_316 = vector.broadcast %add3A_315 : i32 to vector<16xi32>
        %add3A_317 = arith.addi %add3A_316, %iota3A : vector<16xi32>
        %gather3A_318 = arith.constant 0 : i32
        %gather3A_319 = arith.constant 0 : i32
        %gather3A_320 = tpu.memref_slice %arg4[%scan3A_226, %gather3A_318, %gather3A_319] : memref<2x32x128xf32, #tpu.memory_space<vmem>> -> memref<1x32x128xf32, #tpu.memory_space<vmem>>
        %gather3A_321 = tpu.memref_squeeze %gather3A_320 : memref<1x32x128xf32, #tpu.memory_space<vmem>> -> memref<32x128xf32, #tpu.memory_space<vmem>>
        %gather3A_322 = tpu.vector_load_idx %gather3A_321[%add3A_317, %add3A_306] : memref<32x128xf32, #tpu.memory_space<vmem>>[vector<16xi32>, vector<16xi32>], vector<16xf32>,
        %add3A_323 = arith.constant 48 : i32
        %add3A_324 = vector.broadcast %add3A_323 : i32 to vector<16xi32>
        %add3A_325 = arith.addi %add3A_324, %and3A_266 : vector<16xi32>
        %add3A_326 = arith.constant 0 : i32
        %add3A_327 = vector.broadcast %add3A_326 : i32 to vector<16xi32>
        %add3A_328 = arith.addi %add3A_327, %iota3A : vector<16xi32>
        %gather3A_329 = arith.constant 0 : i32
        %gather3A_330 = arith.constant 0 : i32
        %gather3A_331 = tpu.memref_slice %arg4[%scan3A_226, %gather3A_329, %gather3A_330] : memref<2x32x128xf32, #tpu.memory_space<vmem>> -> memref<1x32x128xf32, #tpu.memory_space<vmem>>
        %gather3A_332 = tpu.memref_squeeze %gather3A_331 : memref<1x32x128xf32, #tpu.memory_space<vmem>> -> memref<32x128xf32, #tpu.memory_space<vmem>>
        %gather3A_333 = tpu.vector_load_idx %gather3A_332[%add3A_328, %add3A_325] : memref<32x128xf32, #tpu.memory_space<vmem>>[vector<16xi32>, vector<16xi32>], vector<16xf32>,
        %add3A_334 = arith.constant 16 : i32
        %add3A_335 = vector.broadcast %add3A_334 : i32 to vector<16xi32>
        %add3A_336 = arith.addi %add3A_335, %iota3A : vector<16xi32>
        %gather3A_337 = arith.constant 0 : i32
        %gather3A_338 = arith.constant 0 : i32
        %gather3A_339 = tpu.memref_slice %arg4[%scan3A_226, %gather3A_337, %gather3A_338] : memref<2x32x128xf32, #tpu.memory_space<vmem>> -> memref<1x32x128xf32, #tpu.memory_space<vmem>>
        %gather3A_340 = tpu.memref_squeeze %gather3A_339 : memref<1x32x128xf32, #tpu.memory_space<vmem>> -> memref<32x128xf32, #tpu.memory_space<vmem>>
        %gather3A_341 = tpu.vector_load_idx %gather3A_340[%add3A_336, %add3A_325] : memref<32x128xf32, #tpu.memory_space<vmem>>[vector<16xi32>, vector<16xi32>], vector<16xf32>,
        %add3A_342 = arith.constant 64 : i32
        %add3A_343 = vector.broadcast %add3A_342 : i32 to vector<16xi32>
        %add3A_344 = arith.addi %add3A_343, %and3A_266 : vector<16xi32>
        %add3A_345 = arith.constant 0 : i32
        %add3A_346 = vector.broadcast %add3A_345 : i32 to vector<16xi32>
        %add3A_347 = arith.addi %add3A_346, %iota3A : vector<16xi32>
        %gather3A_348 = arith.constant 0 : i32
        %gather3A_349 = arith.constant 0 : i32
        %gather3A_350 = tpu.memref_slice %arg4[%scan3A_226, %gather3A_348, %gather3A_349] : memref<2x32x128xf32, #tpu.memory_space<vmem>> -> memref<1x32x128xf32, #tpu.memory_space<vmem>>
        %gather3A_351 = tpu.memref_squeeze %gather3A_350 : memref<1x32x128xf32, #tpu.memory_space<vmem>> -> memref<32x128xf32, #tpu.memory_space<vmem>>
        %gather3A_352 = tpu.vector_load_idx %gather3A_351[%add3A_347, %add3A_344] : memref<32x128xf32, #tpu.memory_space<vmem>>[vector<16xi32>, vector<16xi32>], vector<16xf32>,
        %add3A_353 = arith.constant 16 : i32
        %add3A_354 = vector.broadcast %add3A_353 : i32 to vector<16xi32>
        %add3A_355 = arith.addi %add3A_354, %iota3A : vector<16xi32>
        %gather3A_356 = arith.constant 0 : i32
        %gather3A_357 = arith.constant 0 : i32
        %gather3A_358 = tpu.memref_slice %arg4[%scan3A_226, %gather3A_356, %gather3A_357] : memref<2x32x128xf32, #tpu.memory_space<vmem>> -> memref<1x32x128xf32, #tpu.memory_space<vmem>>
        %gather3A_359 = tpu.memref_squeeze %gather3A_358 : memref<1x32x128xf32, #tpu.memory_space<vmem>> -> memref<32x128xf32, #tpu.memory_space<vmem>>
        %gather3A_360 = tpu.vector_load_idx %gather3A_359[%add3A_355, %add3A_344] : memref<32x128xf32, #tpu.memory_space<vmem>>[vector<16xi32>, vector<16xi32>], vector<16xf32>,
        %add3A_361 = arith.constant 80 : i32
        %add3A_362 = vector.broadcast %add3A_361 : i32 to vector<16xi32>
        %add3A_363 = arith.addi %add3A_362, %and3A_266 : vector<16xi32>
        %add3A_364 = arith.constant 0 : i32
        %add3A_365 = vector.broadcast %add3A_364 : i32 to vector<16xi32>
        %add3A_366 = arith.addi %add3A_365, %iota3A : vector<16xi32>
        %gather3A_367 = arith.constant 0 : i32
        %gather3A_368 = arith.constant 0 : i32
        %gather3A_369 = tpu.memref_slice %arg4[%scan3A_226, %gather3A_367, %gather3A_368] : memref<2x32x128xf32, #tpu.memory_space<vmem>> -> memref<1x32x128xf32, #tpu.memory_space<vmem>>
        %gather3A_370 = tpu.memref_squeeze %gather3A_369 : memref<1x32x128xf32, #tpu.memory_space<vmem>> -> memref<32x128xf32, #tpu.memory_space<vmem>>
        %gather3A_371 = tpu.vector_load_idx %gather3A_370[%add3A_366, %add3A_363] : memref<32x128xf32, #tpu.memory_space<vmem>>[vector<16xi32>, vector<16xi32>], vector<16xf32>,
        %add3A_372 = arith.constant 16 : i32
        %add3A_373 = vector.broadcast %add3A_372 : i32 to vector<16xi32>
        %add3A_374 = arith.addi %add3A_373, %iota3A : vector<16xi32>
        %gather3A_375 = arith.constant 0 : i32
        %gather3A_376 = arith.constant 0 : i32
        %gather3A_377 = tpu.memref_slice %arg4[%scan3A_226, %gather3A_375, %gather3A_376] : memref<2x32x128xf32, #tpu.memory_space<vmem>> -> memref<1x32x128xf32, #tpu.memory_space<vmem>>
        %gather3A_378 = tpu.memref_squeeze %gather3A_377 : memref<1x32x128xf32, #tpu.memory_space<vmem>> -> memref<32x128xf32, #tpu.memory_space<vmem>>
        %gather3A_379 = tpu.vector_load_idx %gather3A_378[%add3A_374, %add3A_363] : memref<32x128xf32, #tpu.memory_space<vmem>>[vector<16xi32>, vector<16xi32>], vector<16xf32>,
        %add3A_380 = arith.constant 96 : i32
        %add3A_381 = vector.broadcast %add3A_380 : i32 to vector<16xi32>
        %add3A_382 = arith.addi %add3A_381, %and3A_266 : vector<16xi32>
        %add3A_383 = arith.constant 0 : i32
        %add3A_384 = vector.broadcast %add3A_383 : i32 to vector<16xi32>
        %add3A_385 = arith.addi %add3A_384, %iota3A : vector<16xi32>
        %gather3A_386 = arith.constant 0 : i32
        %gather3A_387 = arith.constant 0 : i32
        %gather3A_388 = tpu.memref_slice %arg4[%scan3A_226, %gather3A_386, %gather3A_387] : memref<2x32x128xf32, #tpu.memory_space<vmem>> -> memref<1x32x128xf32, #tpu.memory_space<vmem>>
        %gather3A_389 = tpu.memref_squeeze %gather3A_388 : memref<1x32x128xf32, #tpu.memory_space<vmem>> -> memref<32x128xf32, #tpu.memory_space<vmem>>
        %gather3A_390 = tpu.vector_load_idx %gather3A_389[%add3A_385, %add3A_382] : memref<32x128xf32, #tpu.memory_space<vmem>>[vector<16xi32>, vector<16xi32>], vector<16xf32>,
        %add3A_391 = arith.constant 16 : i32
        %add3A_392 = vector.broadcast %add3A_391 : i32 to vector<16xi32>
        %add3A_393 = arith.addi %add3A_392, %iota3A : vector<16xi32>
        %gather3A_394 = arith.constant 0 : i32
        %gather3A_395 = arith.constant 0 : i32
        %gather3A_396 = tpu.memref_slice %arg4[%scan3A_226, %gather3A_394, %gather3A_395] : memref<2x32x128xf32, #tpu.memory_space<vmem>> -> memref<1x32x128xf32, #tpu.memory_space<vmem>>
        %gather3A_397 = tpu.memref_squeeze %gather3A_396 : memref<1x32x128xf32, #tpu.memory_space<vmem>> -> memref<32x128xf32, #tpu.memory_space<vmem>>
        %gather3A_398 = tpu.vector_load_idx %gather3A_397[%add3A_393, %add3A_382] : memref<32x128xf32, #tpu.memory_space<vmem>>[vector<16xi32>, vector<16xi32>], vector<16xf32>,
        %add3A_399 = arith.constant 112 : i32
        %add3A_400 = vector.broadcast %add3A_399 : i32 to vector<16xi32>
        %add3A_401 = arith.addi %add3A_400, %and3A_266 : vector<16xi32>
        %add3A_402 = arith.constant 0 : i32
        %add3A_403 = vector.broadcast %add3A_402 : i32 to vector<16xi32>
        %add3A_404 = arith.addi %add3A_403, %iota3A : vector<16xi32>
        %gather3A_405 = arith.constant 0 : i32
        %gather3A_406 = arith.constant 0 : i32
        %gather3A_407 = tpu.memref_slice %arg4[%scan3A_226, %gather3A_405, %gather3A_406] : memref<2x32x128xf32, #tpu.memory_space<vmem>> -> memref<1x32x128xf32, #tpu.memory_space<vmem>>
        %gather3A_408 = tpu.memref_squeeze %gather3A_407 : memref<1x32x128xf32, #tpu.memory_space<vmem>> -> memref<32x128xf32, #tpu.memory_space<vmem>>
        %gather3A_409 = tpu.vector_load_idx %gather3A_408[%add3A_404, %add3A_401] : memref<32x128xf32, #tpu.memory_space<vmem>>[vector<16xi32>, vector<16xi32>], vector<16xf32>,
        %add3A_410 = arith.constant 16 : i32
        %add3A_411 = vector.broadcast %add3A_410 : i32 to vector<16xi32>
        %add3A_412 = arith.addi %add3A_411, %iota3A : vector<16xi32>
        %gather3A_413 = arith.constant 0 : i32
        %gather3A_414 = arith.constant 0 : i32
        %gather3A_415 = tpu.memref_slice %arg4[%scan3A_226, %gather3A_413, %gather3A_414] : memref<2x32x128xf32, #tpu.memory_space<vmem>> -> memref<1x32x128xf32, #tpu.memory_space<vmem>>
        %gather3A_416 = tpu.memref_squeeze %gather3A_415 : memref<1x32x128xf32, #tpu.memory_space<vmem>> -> memref<32x128xf32, #tpu.memory_space<vmem>>
        %gather3A_417 = tpu.vector_load_idx %gather3A_416[%add3A_412, %add3A_401] : memref<32x128xf32, #tpu.memory_space<vmem>>[vector<16xi32>, vector<16xi32>], vector<16xf32>,
        %add3A_418 = arith.constant 0 : i32
        %add3A_419 = vector.broadcast %add3A_418 : i32 to vector<16xi32>
        %add3A_420 = arith.addi %add3A_419, %and3A_266 : vector<16xi32>
        %shift_right_arithmetic3A = arith.constant 2 : i32
        %shift_right_arithmetic3A_421 = vector.broadcast %shift_right_arithmetic3A : i32 to vector<16xi32>
        %shift_right_arithmetic3A_422 = arith.shrsi %add3A_420, %shift_right_arithmetic3A_421 : vector<16xi32>
        %and3A_423 = arith.constant 3 : i32
        %and3A_424 = vector.broadcast %and3A_423 : i32 to vector<16xi32>
        %and3A_425 = arith.andi %add3A_420, %and3A_424 : vector<16xi32>
        %shift_left3A = arith.constant 5 : i32
        %shift_left3A_426 = vector.broadcast %shift_left3A : i32 to vector<16xi32>
        %shift_left3A_427 = arith.shli %and3A_425, %shift_left3A_426 : vector<16xi32>
        %add3A_428 = arith.addi %shift_left3A_427, %iota3A : vector<16xi32>
        %add3A_429 = arith.constant 0 : i32
        %add3A_430 = vector.broadcast %add3A_429 : i32 to vector<16xi32>
        %add3A_431 = arith.addi %add3A_428, %add3A_430 : vector<16xi32>
        %scatter3A = arith.constant 0 : i32
        %scatter3A_432 = arith.constant 0 : i32
        %scatter3A_433 = tpu.memref_slice %arg5[%scan3A_227, %scatter3A, %scatter3A_432] : memref<2x32x128xf32, #tpu.memory_space<vmem>> -> memref<1x32x128xf32, #tpu.memory_space<vmem>>
        %scatter3A_434 = tpu.memref_squeeze %scatter3A_433 : memref<1x32x128xf32, #tpu.memory_space<vmem>> -> memref<32x128xf32, #tpu.memory_space<vmem>>
        tpu.vector_store_idx %scatter3A_434[%shift_right_arithmetic3A_422, %add3A_431], %gather3A_276 : memref<32x128xf32, #tpu.memory_space<vmem>>[vector<16xi32>, vector<16xi32>], vector<16xf32>,
        %add3A_435 = arith.constant 16 : i32
        %add3A_436 = vector.broadcast %add3A_435 : i32 to vector<16xi32>
        %add3A_437 = arith.addi %add3A_428, %add3A_436 : vector<16xi32>
        %scatter3A_438 = arith.constant 0 : i32
        %scatter3A_439 = arith.constant 0 : i32
        %scatter3A_440 = tpu.memref_slice %arg5[%scan3A_227, %scatter3A_438, %scatter3A_439] : memref<2x32x128xf32, #tpu.memory_space<vmem>> -> memref<1x32x128xf32, #tpu.memory_space<vmem>>
        %scatter3A_441 = tpu.memref_squeeze %scatter3A_440 : memref<1x32x128xf32, #tpu.memory_space<vmem>> -> memref<32x128xf32, #tpu.memory_space<vmem>>
        tpu.vector_store_idx %scatter3A_441[%shift_right_arithmetic3A_422, %add3A_437], %gather3A_284 : memref<32x128xf32, #tpu.memory_space<vmem>>[vector<16xi32>, vector<16xi32>], vector<16xf32>,
        %add3A_442 = arith.constant 16 : i32
        %add3A_443 = vector.broadcast %add3A_442 : i32 to vector<16xi32>
        %add3A_444 = arith.addi %add3A_443, %and3A_266 : vector<16xi32>
        %shift_right_arithmetic3A_445 = arith.constant 2 : i32
        %shift_right_arithmetic3A_446 = vector.broadcast %shift_right_arithmetic3A_445 : i32 to vector<16xi32>
        %shift_right_arithmetic3A_447 = arith.shrsi %add3A_444, %shift_right_arithmetic3A_446 : vector<16xi32>
        %and3A_448 = arith.constant 3 : i32
        %and3A_449 = vector.broadcast %and3A_448 : i32 to vector<16xi32>
        %and3A_450 = arith.andi %add3A_444, %and3A_449 : vector<16xi32>
        %shift_left3A_451 = arith.constant 5 : i32
        %shift_left3A_452 = vector.broadcast %shift_left3A_451 : i32 to vector<16xi32>
        %shift_left3A_453 = arith.shli %and3A_450, %shift_left3A_452 : vector<16xi32>
        %add3A_454 = arith.addi %shift_left3A_453, %iota3A : vector<16xi32>
        %add3A_455 = arith.constant 0 : i32
        %add3A_456 = vector.broadcast %add3A_455 : i32 to vector<16xi32>
        %add3A_457 = arith.addi %add3A_454, %add3A_456 : vector<16xi32>
        %scatter3A_458 = arith.constant 0 : i32
        %scatter3A_459 = arith.constant 0 : i32
        %scatter3A_460 = tpu.memref_slice %arg5[%scan3A_227, %scatter3A_458, %scatter3A_459] : memref<2x32x128xf32, #tpu.memory_space<vmem>> -> memref<1x32x128xf32, #tpu.memory_space<vmem>>
        %scatter3A_461 = tpu.memref_squeeze %scatter3A_460 : memref<1x32x128xf32, #tpu.memory_space<vmem>> -> memref<32x128xf32, #tpu.memory_space<vmem>>
        tpu.vector_store_idx %scatter3A_461[%shift_right_arithmetic3A_447, %add3A_457], %gather3A_295 : memref<32x128xf32, #tpu.memory_space<vmem>>[vector<16xi32>, vector<16xi32>], vector<16xf32>,
        %add3A_462 = arith.constant 16 : i32
        %add3A_463 = vector.broadcast %add3A_462 : i32 to vector<16xi32>
        %add3A_464 = arith.addi %add3A_454, %add3A_463 : vector<16xi32>
        %scatter3A_465 = arith.constant 0 : i32
        %scatter3A_466 = arith.constant 0 : i32
        %scatter3A_467 = tpu.memref_slice %arg5[%scan3A_227, %scatter3A_465, %scatter3A_466] : memref<2x32x128xf32, #tpu.memory_space<vmem>> -> memref<1x32x128xf32, #tpu.memory_space<vmem>>
        %scatter3A_468 = tpu.memref_squeeze %scatter3A_467 : memref<1x32x128xf32, #tpu.memory_space<vmem>> -> memref<32x128xf32, #tpu.memory_space<vmem>>
        tpu.vector_store_idx %scatter3A_468[%shift_right_arithmetic3A_447, %add3A_464], %gather3A_303 : memref<32x128xf32, #tpu.memory_space<vmem>>[vector<16xi32>, vector<16xi32>], vector<16xf32>,
        %add3A_469 = arith.constant 32 : i32
        %add3A_470 = vector.broadcast %add3A_469 : i32 to vector<16xi32>
        %add3A_471 = arith.addi %add3A_470, %and3A_266 : vector<16xi32>
        %shift_right_arithmetic3A_472 = arith.constant 2 : i32
        %shift_right_arithmetic3A_473 = vector.broadcast %shift_right_arithmetic3A_472 : i32 to vector<16xi32>
        %shift_right_arithmetic3A_474 = arith.shrsi %add3A_471, %shift_right_arithmetic3A_473 : vector<16xi32>
        %and3A_475 = arith.constant 3 : i32
        %and3A_476 = vector.broadcast %and3A_475 : i32 to vector<16xi32>
        %and3A_477 = arith.andi %add3A_471, %and3A_476 : vector<16xi32>
        %shift_left3A_478 = arith.constant 5 : i32
        %shift_left3A_479 = vector.broadcast %shift_left3A_478 : i32 to vector<16xi32>
        %shift_left3A_480 = arith.shli %and3A_477, %shift_left3A_479 : vector<16xi32>
        %add3A_481 = arith.addi %shift_left3A_480, %iota3A : vector<16xi32>
        %add3A_482 = arith.constant 0 : i32
        %add3A_483 = vector.broadcast %add3A_482 : i32 to vector<16xi32>
        %add3A_484 = arith.addi %add3A_481, %add3A_483 : vector<16xi32>
        %scatter3A_485 = arith.constant 0 : i32
        %scatter3A_486 = arith.constant 0 : i32
        %scatter3A_487 = tpu.memref_slice %arg5[%scan3A_227, %scatter3A_485, %scatter3A_486] : memref<2x32x128xf32, #tpu.memory_space<vmem>> -> memref<1x32x128xf32, #tpu.memory_space<vmem>>
        %scatter3A_488 = tpu.memref_squeeze %scatter3A_487 : memref<1x32x128xf32, #tpu.memory_space<vmem>> -> memref<32x128xf32, #tpu.memory_space<vmem>>
        tpu.vector_store_idx %scatter3A_488[%shift_right_arithmetic3A_474, %add3A_484], %gather3A_314 : memref<32x128xf32, #tpu.memory_space<vmem>>[vector<16xi32>, vector<16xi32>], vector<16xf32>,
        %add3A_489 = arith.constant 16 : i32
        %add3A_490 = vector.broadcast %add3A_489 : i32 to vector<16xi32>
        %add3A_491 = arith.addi %add3A_481, %add3A_490 : vector<16xi32>
        %scatter3A_492 = arith.constant 0 : i32
        %scatter3A_493 = arith.constant 0 : i32
        %scatter3A_494 = tpu.memref_slice %arg5[%scan3A_227, %scatter3A_492, %scatter3A_493] : memref<2x32x128xf32, #tpu.memory_space<vmem>> -> memref<1x32x128xf32, #tpu.memory_space<vmem>>
        %scatter3A_495 = tpu.memref_squeeze %scatter3A_494 : memref<1x32x128xf32, #tpu.memory_space<vmem>> -> memref<32x128xf32, #tpu.memory_space<vmem>>
        tpu.vector_store_idx %scatter3A_495[%shift_right_arithmetic3A_474, %add3A_491], %gather3A_322 : memref<32x128xf32, #tpu.memory_space<vmem>>[vector<16xi32>, vector<16xi32>], vector<16xf32>,
        %add3A_496 = arith.constant 48 : i32
        %add3A_497 = vector.broadcast %add3A_496 : i32 to vector<16xi32>
        %add3A_498 = arith.addi %add3A_497, %and3A_266 : vector<16xi32>
        %shift_right_arithmetic3A_499 = arith.constant 2 : i32
        %shift_right_arithmetic3A_500 = vector.broadcast %shift_right_arithmetic3A_499 : i32 to vector<16xi32>
        %shift_right_arithmetic3A_501 = arith.shrsi %add3A_498, %shift_right_arithmetic3A_500 : vector<16xi32>
        %and3A_502 = arith.constant 3 : i32
        %and3A_503 = vector.broadcast %and3A_502 : i32 to vector<16xi32>
        %and3A_504 = arith.andi %add3A_498, %and3A_503 : vector<16xi32>
        %shift_left3A_505 = arith.constant 5 : i32
        %shift_left3A_506 = vector.broadcast %shift_left3A_505 : i32 to vector<16xi32>
        %shift_left3A_507 = arith.shli %and3A_504, %shift_left3A_506 : vector<16xi32>
        %add3A_508 = arith.addi %shift_left3A_507, %iota3A : vector<16xi32>
        %add3A_509 = arith.constant 0 : i32
        %add3A_510 = vector.broadcast %add3A_509 : i32 to vector<16xi32>
        %add3A_511 = arith.addi %add3A_508, %add3A_510 : vector<16xi32>
        %scatter3A_512 = arith.constant 0 : i32
        %scatter3A_513 = arith.constant 0 : i32
        %scatter3A_514 = tpu.memref_slice %arg5[%scan3A_227, %scatter3A_512, %scatter3A_513] : memref<2x32x128xf32, #tpu.memory_space<vmem>> -> memref<1x32x128xf32, #tpu.memory_space<vmem>>
        %scatter3A_515 = tpu.memref_squeeze %scatter3A_514 : memref<1x32x128xf32, #tpu.memory_space<vmem>> -> memref<32x128xf32, #tpu.memory_space<vmem>>
        tpu.vector_store_idx %scatter3A_515[%shift_right_arithmetic3A_501, %add3A_511], %gather3A_333 : memref<32x128xf32, #tpu.memory_space<vmem>>[vector<16xi32>, vector<16xi32>], vector<16xf32>,
        %add3A_516 = arith.constant 16 : i32
        %add3A_517 = vector.broadcast %add3A_516 : i32 to vector<16xi32>
        %add3A_518 = arith.addi %add3A_508, %add3A_517 : vector<16xi32>
        %scatter3A_519 = arith.constant 0 : i32
        %scatter3A_520 = arith.constant 0 : i32
        %scatter3A_521 = tpu.memref_slice %arg5[%scan3A_227, %scatter3A_519, %scatter3A_520] : memref<2x32x128xf32, #tpu.memory_space<vmem>> -> memref<1x32x128xf32, #tpu.memory_space<vmem>>
        %scatter3A_522 = tpu.memref_squeeze %scatter3A_521 : memref<1x32x128xf32, #tpu.memory_space<vmem>> -> memref<32x128xf32, #tpu.memory_space<vmem>>
        tpu.vector_store_idx %scatter3A_522[%shift_right_arithmetic3A_501, %add3A_518], %gather3A_341 : memref<32x128xf32, #tpu.memory_space<vmem>>[vector<16xi32>, vector<16xi32>], vector<16xf32>,
        %add3A_523 = arith.constant 64 : i32
        %add3A_524 = vector.broadcast %add3A_523 : i32 to vector<16xi32>
        %add3A_525 = arith.addi %add3A_524, %and3A_266 : vector<16xi32>
        %shift_right_arithmetic3A_526 = arith.constant 2 : i32
        %shift_right_arithmetic3A_527 = vector.broadcast %shift_right_arithmetic3A_526 : i32 to vector<16xi32>
        %shift_right_arithmetic3A_528 = arith.shrsi %add3A_525, %shift_right_arithmetic3A_527 : vector<16xi32>
        %and3A_529 = arith.constant 3 : i32
        %and3A_530 = vector.broadcast %and3A_529 : i32 to vector<16xi32>
        %and3A_531 = arith.andi %add3A_525, %and3A_530 : vector<16xi32>
        %shift_left3A_532 = arith.constant 5 : i32
        %shift_left3A_533 = vector.broadcast %shift_left3A_532 : i32 to vector<16xi32>
        %shift_left3A_534 = arith.shli %and3A_531, %shift_left3A_533 : vector<16xi32>
        %add3A_535 = arith.addi %shift_left3A_534, %iota3A : vector<16xi32>
        %add3A_536 = arith.constant 0 : i32
        %add3A_537 = vector.broadcast %add3A_536 : i32 to vector<16xi32>
        %add3A_538 = arith.addi %add3A_535, %add3A_537 : vector<16xi32>
        %scatter3A_539 = arith.constant 0 : i32
        %scatter3A_540 = arith.constant 0 : i32
        %scatter3A_541 = tpu.memref_slice %arg5[%scan3A_227, %scatter3A_539, %scatter3A_540] : memref<2x32x128xf32, #tpu.memory_space<vmem>> -> memref<1x32x128xf32, #tpu.memory_space<vmem>>
        %scatter3A_542 = tpu.memref_squeeze %scatter3A_541 : memref<1x32x128xf32, #tpu.memory_space<vmem>> -> memref<32x128xf32, #tpu.memory_space<vmem>>
        tpu.vector_store_idx %scatter3A_542[%shift_right_arithmetic3A_528, %add3A_538], %gather3A_352 : memref<32x128xf32, #tpu.memory_space<vmem>>[vector<16xi32>, vector<16xi32>], vector<16xf32>,
        %add3A_543 = arith.constant 16 : i32
        %add3A_544 = vector.broadcast %add3A_543 : i32 to vector<16xi32>
        %add3A_545 = arith.addi %add3A_535, %add3A_544 : vector<16xi32>
        %scatter3A_546 = arith.constant 0 : i32
        %scatter3A_547 = arith.constant 0 : i32
        %scatter3A_548 = tpu.memref_slice %arg5[%scan3A_227, %scatter3A_546, %scatter3A_547] : memref<2x32x128xf32, #tpu.memory_space<vmem>> -> memref<1x32x128xf32, #tpu.memory_space<vmem>>
        %scatter3A_549 = tpu.memref_squeeze %scatter3A_548 : memref<1x32x128xf32, #tpu.memory_space<vmem>> -> memref<32x128xf32, #tpu.memory_space<vmem>>
        tpu.vector_store_idx %scatter3A_549[%shift_right_arithmetic3A_528, %add3A_545], %gather3A_360 : memref<32x128xf32, #tpu.memory_space<vmem>>[vector<16xi32>, vector<16xi32>], vector<16xf32>,
        %add3A_550 = arith.constant 80 : i32
        %add3A_551 = vector.broadcast %add3A_550 : i32 to vector<16xi32>
        %add3A_552 = arith.addi %add3A_551, %and3A_266 : vector<16xi32>
        %shift_right_arithmetic3A_553 = arith.constant 2 : i32
        %shift_right_arithmetic3A_554 = vector.broadcast %shift_right_arithmetic3A_553 : i32 to vector<16xi32>
        %shift_right_arithmetic3A_555 = arith.shrsi %add3A_552, %shift_right_arithmetic3A_554 : vector<16xi32>
        %and3A_556 = arith.constant 3 : i32
        %and3A_557 = vector.broadcast %and3A_556 : i32 to vector<16xi32>
        %and3A_558 = arith.andi %add3A_552, %and3A_557 : vector<16xi32>
        %shift_left3A_559 = arith.constant 5 : i32
        %shift_left3A_560 = vector.broadcast %shift_left3A_559 : i32 to vector<16xi32>
        %shift_left3A_561 = arith.shli %and3A_558, %shift_left3A_560 : vector<16xi32>
        %add3A_562 = arith.addi %shift_left3A_561, %iota3A : vector<16xi32>
        %add3A_563 = arith.constant 0 : i32
        %add3A_564 = vector.broadcast %add3A_563 : i32 to vector<16xi32>
        %add3A_565 = arith.addi %add3A_562, %add3A_564 : vector<16xi32>
        %scatter3A_566 = arith.constant 0 : i32
        %scatter3A_567 = arith.constant 0 : i32
        %scatter3A_568 = tpu.memref_slice %arg5[%scan3A_227, %scatter3A_566, %scatter3A_567] : memref<2x32x128xf32, #tpu.memory_space<vmem>> -> memref<1x32x128xf32, #tpu.memory_space<vmem>>
        %scatter3A_569 = tpu.memref_squeeze %scatter3A_568 : memref<1x32x128xf32, #tpu.memory_space<vmem>> -> memref<32x128xf32, #tpu.memory_space<vmem>>
        tpu.vector_store_idx %scatter3A_569[%shift_right_arithmetic3A_555, %add3A_565], %gather3A_371 : memref<32x128xf32, #tpu.memory_space<vmem>>[vector<16xi32>, vector<16xi32>], vector<16xf32>,
        %add3A_570 = arith.constant 16 : i32
        %add3A_571 = vector.broadcast %add3A_570 : i32 to vector<16xi32>
        %add3A_572 = arith.addi %add3A_562, %add3A_571 : vector<16xi32>
        %scatter3A_573 = arith.constant 0 : i32
        %scatter3A_574 = arith.constant 0 : i32
        %scatter3A_575 = tpu.memref_slice %arg5[%scan3A_227, %scatter3A_573, %scatter3A_574] : memref<2x32x128xf32, #tpu.memory_space<vmem>> -> memref<1x32x128xf32, #tpu.memory_space<vmem>>
        %scatter3A_576 = tpu.memref_squeeze %scatter3A_575 : memref<1x32x128xf32, #tpu.memory_space<vmem>> -> memref<32x128xf32, #tpu.memory_space<vmem>>
        tpu.vector_store_idx %scatter3A_576[%shift_right_arithmetic3A_555, %add3A_572], %gather3A_379 : memref<32x128xf32, #tpu.memory_space<vmem>>[vector<16xi32>, vector<16xi32>], vector<16xf32>,
        %add3A_577 = arith.constant 96 : i32
        %add3A_578 = vector.broadcast %add3A_577 : i32 to vector<16xi32>
        %add3A_579 = arith.addi %add3A_578, %and3A_266 : vector<16xi32>
        %shift_right_arithmetic3A_580 = arith.constant 2 : i32
        %shift_right_arithmetic3A_581 = vector.broadcast %shift_right_arithmetic3A_580 : i32 to vector<16xi32>
        %shift_right_arithmetic3A_582 = arith.shrsi %add3A_579, %shift_right_arithmetic3A_581 : vector<16xi32>
        %and3A_583 = arith.constant 3 : i32
        %and3A_584 = vector.broadcast %and3A_583 : i32 to vector<16xi32>
        %and3A_585 = arith.andi %add3A_579, %and3A_584 : vector<16xi32>
        %shift_left3A_586 = arith.constant 5 : i32
        %shift_left3A_587 = vector.broadcast %shift_left3A_586 : i32 to vector<16xi32>
        %shift_left3A_588 = arith.shli %and3A_585, %shift_left3A_587 : vector<16xi32>
        %add3A_589 = arith.addi %shift_left3A_588, %iota3A : vector<16xi32>
        %add3A_590 = arith.constant 0 : i32
        %add3A_591 = vector.broadcast %add3A_590 : i32 to vector<16xi32>
        %add3A_592 = arith.addi %add3A_589, %add3A_591 : vector<16xi32>
        %scatter3A_593 = arith.constant 0 : i32
        %scatter3A_594 = arith.constant 0 : i32
        %scatter3A_595 = tpu.memref_slice %arg5[%scan3A_227, %scatter3A_593, %scatter3A_594] : memref<2x32x128xf32, #tpu.memory_space<vmem>> -> memref<1x32x128xf32, #tpu.memory_space<vmem>>
        %scatter3A_596 = tpu.memref_squeeze %scatter3A_595 : memref<1x32x128xf32, #tpu.memory_space<vmem>> -> memref<32x128xf32, #tpu.memory_space<vmem>>
        tpu.vector_store_idx %scatter3A_596[%shift_right_arithmetic3A_582, %add3A_592], %gather3A_390 : memref<32x128xf32, #tpu.memory_space<vmem>>[vector<16xi32>, vector<16xi32>], vector<16xf32>,
        %add3A_597 = arith.constant 16 : i32
        %add3A_598 = vector.broadcast %add3A_597 : i32 to vector<16xi32>
        %add3A_599 = arith.addi %add3A_589, %add3A_598 : vector<16xi32>
        %scatter3A_600 = arith.constant 0 : i32
        %scatter3A_601 = arith.constant 0 : i32
        %scatter3A_602 = tpu.memref_slice %arg5[%scan3A_227, %scatter3A_600, %scatter3A_601] : memref<2x32x128xf32, #tpu.memory_space<vmem>> -> memref<1x32x128xf32, #tpu.memory_space<vmem>>
        %scatter3A_603 = tpu.memref_squeeze %scatter3A_602 : memref<1x32x128xf32, #tpu.memory_space<vmem>> -> memref<32x128xf32, #tpu.memory_space<vmem>>
        tpu.vector_store_idx %scatter3A_603[%shift_right_arithmetic3A_582, %add3A_599], %gather3A_398 : memref<32x128xf32, #tpu.memory_space<vmem>>[vector<16xi32>, vector<16xi32>], vector<16xf32>,
        %add3A_604 = arith.constant 112 : i32
        %add3A_605 = vector.broadcast %add3A_604 : i32 to vector<16xi32>
        %add3A_606 = arith.addi %add3A_605, %and3A_266 : vector<16xi32>
        %shift_right_arithmetic3A_607 = arith.constant 2 : i32
        %shift_right_arithmetic3A_608 = vector.broadcast %shift_right_arithmetic3A_607 : i32 to vector<16xi32>
        %shift_right_arithmetic3A_609 = arith.shrsi %add3A_606, %shift_right_arithmetic3A_608 : vector<16xi32>
        %and3A_610 = arith.constant 3 : i32
        %and3A_611 = vector.broadcast %and3A_610 : i32 to vector<16xi32>
        %and3A_612 = arith.andi %add3A_606, %and3A_611 : vector<16xi32>
        %shift_left3A_613 = arith.constant 5 : i32
        %shift_left3A_614 = vector.broadcast %shift_left3A_613 : i32 to vector<16xi32>
        %shift_left3A_615 = arith.shli %and3A_612, %shift_left3A_614 : vector<16xi32>
        %add3A_616 = arith.addi %shift_left3A_615, %iota3A : vector<16xi32>
        %add3A_617 = arith.constant 0 : i32
        %add3A_618 = vector.broadcast %add3A_617 : i32 to vector<16xi32>
        %add3A_619 = arith.addi %add3A_616, %add3A_618 : vector<16xi32>
        %scatter3A_620 = arith.constant 0 : i32
        %scatter3A_621 = arith.constant 0 : i32
        %scatter3A_622 = tpu.memref_slice %arg5[%scan3A_227, %scatter3A_620, %scatter3A_621] : memref<2x32x128xf32, #tpu.memory_space<vmem>> -> memref<1x32x128xf32, #tpu.memory_space<vmem>>
        %scatter3A_623 = tpu.memref_squeeze %scatter3A_622 : memref<1x32x128xf32, #tpu.memory_space<vmem>> -> memref<32x128xf32, #tpu.memory_space<vmem>>
        tpu.vector_store_idx %scatter3A_623[%shift_right_arithmetic3A_609, %add3A_619], %gather3A_409 : memref<32x128xf32, #tpu.memory_space<vmem>>[vector<16xi32>, vector<16xi32>], vector<16xf32>,
        %add3A_624 = arith.constant 16 : i32
        %add3A_625 = vector.broadcast %add3A_624 : i32 to vector<16xi32>
        %add3A_626 = arith.addi %add3A_616, %add3A_625 : vector<16xi32>
        %scatter3A_627 = arith.constant 0 : i32
        %scatter3A_628 = arith.constant 0 : i32
        %scatter3A_629 = tpu.memref_slice %arg5[%scan3A_227, %scatter3A_627, %scatter3A_628] : memref<2x32x128xf32, #tpu.memory_space<vmem>> -> memref<1x32x128xf32, #tpu.memory_space<vmem>>
        %scatter3A_630 = tpu.memref_squeeze %scatter3A_629 : memref<1x32x128xf32, #tpu.memory_space<vmem>> -> memref<32x128xf32, #tpu.memory_space<vmem>>
        tpu.vector_store_idx %scatter3A_630[%shift_right_arithmetic3A_609, %add3A_626], %gather3A_417 : memref<32x128xf32, #tpu.memory_space<vmem>>[vector<16xi32>, vector<16xi32>], vector<16xf32>,
      }
      %scan3A_232 = arith.constant 16 : i32
      %add3A_233 = arith.constant 2 : i32
      %add3A_234 = arith.addi %add3A_195, %add3A_233 : i32
      %lt3A_235 = arith.constant 245 : i32
      %lt3A_236 = arith.cmpi slt, %add3A_234, %lt3A_235 : i32
      %convert_element_type3A_237 = arith.extui %lt3A_236 : i1 to i32
      %cond3A_238 = arith.constant 0 : i32
      %cond3A_239 = arith.cmpi ne, %convert_element_type3A_237, %cond3A_238 : i32
      scf.if %cond3A_239 {
        %add3A_258 = arith.constant 2 : i32
        %add3A_259 = arith.addi %add3A_195, %add3A_258 : i32
        %add3A_260 = arith.addi %add3A_4, %add3A_259 : i32
        %min3A_261 = arith.constant 7811 : i32
        %min3A_262 = arith.minsi %add3A_260, %min3A_261 : i32
        %mul3A_263 = arith.constant 128 : i32
        %mul3A_264 = arith.muli %min3A_262, %mul3A_263 : i32
        %dma_start3A_265 = arith.constant 0 : i32
        %dma_start3A_266 = arith.constant 0 : i32
        %dma_start3A_267 = arith.constant 0 : i32
        %dma_start3A_268 = tpu.memref_slice %arg4[%dma_start3A_265, %dma_start3A_266, %dma_start3A_267] : memref<2x32x128xf32, #tpu.memory_space<vmem>> -> memref<1x32x128xf32, #tpu.memory_space<vmem>>
        %dma_start3A_269 = tpu.memref_squeeze %dma_start3A_268 : memref<1x32x128xf32, #tpu.memory_space<vmem>> -> memref<32x128xf32, #tpu.memory_space<vmem>>
        %dma_start3A_270 = arith.constant 0 : i32
        %dma_start3A_271 = tpu.memref_slice %arg2[%dma_start3A_270, %mul3A_264] : memref<32x1000000xf32, #tpu.memory_space<hbm>> -> memref<32x128xf32, #tpu.memory_space<hbm>>
        %dma_start3A_272 = arith.constant 0 : i32
        %dma_start3A_273 = arith.constant 0 : i32
        %dma_start3A_274 = tpu.memref_slice %arg4[%dma_start3A_265, %dma_start3A_272, %dma_start3A_273] : memref<2x32x128xf32, #tpu.memory_space<vmem>> -> memref<1x32x128xf32, #tpu.memory_space<vmem>>
        %dma_start3A_275 = tpu.memref_squeeze %dma_start3A_274 : memref<1x32x128xf32, #tpu.memory_space<vmem>> -> memref<32x128xf32, #tpu.memory_space<vmem>>
        %dma_start3A_276 = arith.constant 0 : i32
        %dma_start3A_277 = tpu.memref_slice %arg2[%dma_start3A_276, %mul3A_264] : memref<32x1000000xf32, #tpu.memory_space<hbm>> -> memref<32x128xf32, #tpu.memory_space<hbm>>
        tpu.enqueue_dma source(%dma_start3A_277 : memref<32x128xf32, #tpu.memory_space<hbm>>) target(%dma_start3A_275 : memref<32x128xf32, #tpu.memory_space<vmem>>) target_semaphore(%arg6 : memref<!tpu.dma_semaphore, #tpu.memory_space<semaphore_mem>>)
      } else {
      }
      %add3A_240 = arith.addi %add3A_4, %add3A_195 : i32
      %min3A_241 = arith.constant 7811 : i32
      %min3A_242 = arith.minsi %add3A_240, %min3A_241 : i32
      %mul3A_243 = arith.constant 32 : i32
      %mul3A_244 = arith.muli %min3A_242, %mul3A_243 : i32
      %dma_start3A_245 = arith.constant 0 : i32
      %dma_start3A_246 = arith.constant 0 : i32
      %dma_start3A_247 = arith.constant 0 : i32
      %dma_start3A_248 = tpu.memref_slice %arg5[%dma_start3A_245, %dma_start3A_246, %dma_start3A_247] : memref<2x32x128xf32, #tpu.memory_space<vmem>> -> memref<1x32x128xf32, #tpu.memory_space<vmem>>
      %dma_start3A_249 = tpu.memref_squeeze %dma_start3A_248 : memref<1x32x128xf32, #tpu.memory_space<vmem>> -> memref<32x128xf32, #tpu.memory_space<vmem>>
      %dma_start3A_250 = arith.constant 0 : i32
      %dma_start3A_251 = tpu.memref_slice %arg3[%mul3A_244, %dma_start3A_250] : memref<250000x128xf32, #tpu.memory_space<hbm>> -> memref<32x128xf32, #tpu.memory_space<hbm>>
      %dma_start3A_252 = arith.constant 0 : i32
      %dma_start3A_253 = tpu.memref_slice %arg3[%mul3A_244, %dma_start3A_252] : memref<250000x128xf32, #tpu.memory_space<hbm>> -> memref<32x128xf32, #tpu.memory_space<hbm>>
      %dma_start3A_254 = arith.constant 0 : i32
      %dma_start3A_255 = arith.constant 0 : i32
      %dma_start3A_256 = tpu.memref_slice %arg5[%dma_start3A_245, %dma_start3A_254, %dma_start3A_255] : memref<2x32x128xf32, #tpu.memory_space<vmem>> -> memref<1x32x128xf32, #tpu.memory_space<vmem>>
      %dma_start3A_257 = tpu.memref_squeeze %dma_start3A_256 : memref<1x32x128xf32, #tpu.memory_space<vmem>> -> memref<32x128xf32, #tpu.memory_space<vmem>>
      tpu.enqueue_dma source(%dma_start3A_257 : memref<32x128xf32, #tpu.memory_space<vmem>>) target(%dma_start3A_253 : memref<32x128xf32, #tpu.memory_space<hbm>>) target_semaphore(%arg8 : memref<!tpu.dma_semaphore, #tpu.memory_space<semaphore_mem>>)
    }
    %scan3A_104 = arith.constant 122 : i32
    %dma_wait3A_105 = arith.constant 0 : i32
    %dma_wait3A_106 = arith.constant 0 : i32
    %dma_wait3A_107 = arith.constant 0 : i32
    %dma_wait3A_108 = tpu.memref_slice %arg5[%dma_wait3A_105, %dma_wait3A_106, %dma_wait3A_107] : memref<2x32x128xf32, #tpu.memory_space<vmem>> -> memref<1x32x128xf32, #tpu.memory_space<vmem>>
    %dma_wait3A_109 = tpu.memref_squeeze %dma_wait3A_108 : memref<1x32x128xf32, #tpu.memory_space<vmem>> -> memref<32x128xf32, #tpu.memory_space<vmem>>
    %dma_wait3A_110 = arith.constant 0 : i32
    %dma_wait3A_111 = arith.constant 0 : i32
    %dma_wait3A_112 = tpu.memref_slice %arg3[%dma_wait3A_110, %dma_wait3A_111] : memref<250000x128xf32, #tpu.memory_space<hbm>> -> memref<32x128xf32, #tpu.memory_space<hbm>>
    %dma_wait3A_113 = arith.constant 0 : i32
    %dma_wait3A_114 = arith.constant 0 : i32
    %dma_wait3A_115 = tpu.memref_slice %arg3[%dma_wait3A_113, %dma_wait3A_114] : memref<250000x128xf32, #tpu.memory_space<hbm>> -> memref<32x128xf32, #tpu.memory_space<hbm>>
    %dma_wait3A_116 = arith.constant 0 : i32
    %dma_wait3A_117 = arith.constant 0 : i32
    %dma_wait3A_118 = tpu.memref_slice %arg5[%dma_wait3A_105, %dma_wait3A_116, %dma_wait3A_117] : memref<2x32x128xf32, #tpu.memory_space<vmem>> -> memref<1x32x128xf32, #tpu.memory_space<vmem>>
    %dma_wait3A_119 = tpu.memref_squeeze %dma_wait3A_118 : memref<1x32x128xf32, #tpu.memory_space<vmem>> -> memref<32x128xf32, #tpu.memory_space<vmem>>
    tpu.wait_dma2 semaphore(%arg8 : memref<!tpu.dma_semaphore, #tpu.memory_space<semaphore_mem>>) src(%dma_wait3A_119 : memref<32x128xf32, #tpu.memory_space<vmem>>) dst(%dma_wait3A_115 : memref<32x128xf32, #tpu.memory_space<hbm>>)
    %dma_wait3A_120 = arith.constant 1 : i32
    %dma_wait3A_121 = arith.constant 0 : i32
    %dma_wait3A_122 = arith.constant 0 : i32
    %dma_wait3A_123 = tpu.memref_slice %arg5[%dma_wait3A_120, %dma_wait3A_121, %dma_wait3A_122] : memref<2x32x128xf32, #tpu.memory_space<vmem>> -> memref<1x32x128xf32, #tpu.memory_space<vmem>>
    %dma_wait3A_124 = tpu.memref_squeeze %dma_wait3A_123 : memref<1x32x128xf32, #tpu.memory_space<vmem>> -> memref<32x128xf32, #tpu.memory_space<vmem>>
    %dma_wait3A_125 = arith.constant 0 : i32
    %dma_wait3A_126 = arith.constant 0 : i32
    %dma_wait3A_127 = tpu.memref_slice %arg3[%dma_wait3A_125, %dma_wait3A_126] : memref<250000x128xf32, #tpu.memory_space<hbm>> -> memref<32x128xf32, #tpu.memory_space<hbm>>
    %dma_wait3A_128 = arith.constant 0 : i32
    %dma_wait3A_129 = arith.constant 0 : i32
    %dma_wait3A_130 = tpu.memref_slice %arg3[%dma_wait3A_128, %dma_wait3A_129] : memref<250000x128xf32, #tpu.memory_space<hbm>> -> memref<32x128xf32, #tpu.memory_space<hbm>>
    %dma_wait3A_131 = arith.constant 0 : i32
    %dma_wait3A_132 = arith.constant 0 : i32
    %dma_wait3A_133 = tpu.memref_slice %arg5[%dma_wait3A_120, %dma_wait3A_131, %dma_wait3A_132] : memref<2x32x128xf32, #tpu.memory_space<vmem>> -> memref<1x32x128xf32, #tpu.memory_space<vmem>>
    %dma_wait3A_134 = tpu.memref_squeeze %dma_wait3A_133 : memref<1x32x128xf32, #tpu.memory_space<vmem>> -> memref<32x128xf32, #tpu.memory_space<vmem>>
    tpu.wait_dma2 semaphore(%arg9 : memref<!tpu.dma_semaphore, #tpu.memory_space<semaphore_mem>>) src(%dma_wait3A_134 : memref<32x128xf32, #tpu.memory_space<vmem>>) dst(%dma_wait3A_130 : memref<32x128xf32, #tpu.memory_space<hbm>>)
    return
  }
}

</mosaic_0001>

<sc_bundles>
// kernel: _relayout_table.3.cloned.1.call-start
scs
__scs_entry_jumppad:
0x0: {  	(pc) =	sbr.rel $0x88, $3  }
0x1: {  	(tag) =	ssettag $0x0;
	lr =	simm.s32 $0x1  }
0x2: {  	[smem:$0x3FA0] =	sst lr;
	_ =	strace $0xD0000000  }
0x3: {  	_ = 	snop  }
0x4: {  	_ = 	snop  }
0x5: {  	_ = 	snop  }
0x6: {  	_ = 	snop  }
0x7: {  	_ = 	snop  }
__scs_overlays_trampoline_lowered:
0x8: {  	[smem:$0x3FAF] =	sst s0  }
0x9: {  	[smem:$0x3FB0] =	sst s1  }
0xa: {  	[smem:$0x3FB1] =	sst s2  }
0xb: {  	[smem:$0x3FB2] =	sst s3  }
0xc: {  	[smem:$0x3FB3] =	sst s4  }
0xd: {  	[smem:$0x3FB4] =	sst s5  }
0xe: {  	[smem:$0x3FB5] =	sst s6  }
0xf: {  	[smem:$0x3FB6] =	sst s7  }
0x10: {  	[smem:$0x3FB7] =	sst s8  }
0x11: {  	[smem:$0x3FB8] =	sst s9;
	s0 =	simm.s32 @!p0 $0x0  }
0x12: {  	s1 =	sld [smem:$0x3F9E];
	s0 =	simm.s32 @p0 $0x1  }
0x13: {  	[smem:$0x3FB9] =	sst s0;
	s0 =	simm.s32 @!p1 $0x0  }
0x14: {  	s2 =	sld [smem:$0x3F9D];
	s0 =	simm.s32 @p1 $0x1  }
0x15: {  	[smem:$0x3FBA] =	sst s0;
	s0 =	simm.s32 @!p2 $0x0  }
0x16: {  	s3 =	sld [smem:$0x3FDB];
	s0 =	simm.s32 @p2 $0x1  }
0x17: {  	s4 =	simm.s32 $0x1BF5;
	[smem:$0x3FBC] =	sst s0  }
0x18: {  	s0 =	sld [smem:$0x3F9F];
	_ =	swait.ge [sflag:s4], $0x0  }
0x19: {  	s7 =	sld [smem:$0x3FA0]  }
0x1a: {  	s8 =	sadd.s32 $0xFFFFE003, lr  }
0x1b: {  	s9 =	sadd.s32 $0xFFFFFEF7, lr;
	s5 =	simm.s32 $0xFFFFFFFF;
	p2 =	slt.u32 s8, $0xFFFFF086  }
0x1c: {  	p1 =	slt.u32 s9, $0xF7A;
	s5 =	simm.s32 @!p2 $0x0  }
0x1d: {  	s5 =	simm.s32 @p1 $0x1;
	p0 =	seq.s32 s7, s2  }
0x1e: {  	s7 =	smul.u32 @!p0 $0xF7A, s2;
	p2 =	seq.s32 @!p0 s5, $0x0  }
0x1f: {  	s9 =	smul.u32 $0xF7A, s1;
	s8 =	simm.s32 @!p0 $0x1BF5;
	p2 =	por !p2, p0  }
0x20: {  	[sflag:s8] =	ssyncset.s32 @!p0 $0xFFFFF086;
	s6 =	sadd.s32 @!p0 s3, s7;
	s7 =	simm.s32 @!p0 $0x108  }
0x21: {  	s3 =	sadd.s32 s3, s9;
	s6 =	sadd.s32 @!p0 $0x88, s6;
	s7 =	simm.s32 @p2 $0x1082  }
0x22: {  	[simem:s7], [sflag:s8] =	dma.local @!p0 [hbm:s6], $0xF7A  }
0x23: {  	s9 =	sor.u32 $0xD0000000, s2;
	s6 =	simm.s32 $0x108;
	_ =	swait.ge @!p0 [sflag:s8], $0x0  }
0x24: {  	s3 =	sadd.s32 $0x88, s3;
	s6 =	simm.s32 @!p1 $0x1082;
	[sflag:s4] =	ssyncset.s32 $0xFFFFF086  }
0x25: {  	[simem:s6], [sflag:s4] =	dma.local [hbm:s3], $0xF7A  }
0x26: {  	[smem:$0x3FA0] =	sst s1;
	(tag) =	ssettag s2;
	_ =	strace s9  }
0x27: {  	s1 =	sld [smem:$0x3FB0]  }
0x28: {  	s2 =	sld [smem:$0x3FB1]  }
0x29: {  	s4 =	sld [smem:$0x3FB3]  }
0x2a: {  	p0 =	seq.s32 s5, $0x0;
	s5 =	sld [smem:$0x3FB4]  }
0x2b: {  	s6 =	sld [smem:$0x3FB5]  }
0x2c: {  	s7 =	sld [smem:$0x3FB6]  }
0x2d: {  	s3 =	simm.s32 $0x108;
	s8 =	sld [smem:$0x3FB7]  }
0x2e: {  	s3 =	simm.s32 @!p0 $0x1082;
	s9 =	sld [smem:$0x3FB8]  }
0x2f: {  	lr =	sadd.s32 s0, s3;
	s0 =	sld [smem:$0x3FAF]  }
0x30: {  	s3 =	sld [smem:$0x3FB2]  }
0x31: {  	[smem:$0x3FBB] =	sst s10  }
0x32: {  	s10 =	sld [smem:$0x3FB9];
	_ =	sdelay $0x3  }
0x33: {  	p0 =	seq.s32 s10, $0x1;
	s10 =	sld [smem:$0x3FBB];
	_ =	sdelay $0x3  }
0x34: {  	[smem:$0x3FBB] =	sst s10  }
0x35: {  	s10 =	sld [smem:$0x3FBA];
	_ =	sdelay $0x3  }
0x36: {  	p1 =	seq.s32 s10, $0x1;
	s10 =	sld [smem:$0x3FBB];
	_ =	sdelay $0x3  }
0x37: {  	[smem:$0x3FBB] =	sst s10  }
0x38: {  	s10 =	sld [smem:$0x3FBC]  }
0x39: {  	_ = 	snop;
	(pc) =	sbr.ind lr, $3  }
0x3a: {  	_ = 	snop  }
0x3b: {  	_ = 	snop  }
0x3c: {  	p2 =	seq.s32 s10, $0x1;
	s10 =	sld [smem:$0x3FBB]  }
0x3d: {  	_ =	shalt  }
0x3e: {  	_ =	shalt  }
0x3f: {  	_ =	shalt  }
0x40: {  	_ =	shalt  }
0x41: {  	_ =	shalt  }
0x42: {  	_ =	shalt  }
0x43: {  	_ =	shalt  }
0x44: {  	_ =	shalt  }
0x45: {  	_ =	shalt  }
0x46: {  	_ =	shalt  }
0x47: {  	_ =	shalt  }
0x48: {  	_ =	shalt  }
0x49: {  	_ =	shalt  }
0x4a: {  	_ =	shalt  }
0x4b: {  	_ =	shalt  }
0x4c: {  	_ =	shalt  }
0x4d: {  	_ =	shalt  }
0x4e: {  	_ =	shalt  }
0x4f: {  	_ =	shalt  }
0x50: {  	_ =	shalt  }
0x51: {  	_ =	shalt  }
0x52: {  	_ =	shalt  }
0x53: {  	_ =	shalt  }
0x54: {  	_ =	shalt  }
0x55: {  	_ =	shalt  }
0x56: {  	_ =	shalt  }
0x57: {  	_ =	shalt  }
0x58: {  	_ =	shalt  }
0x59: {  	_ =	shalt  }
0x5a: {  	_ =	shalt  }
0x5b: {  	_ =	shalt  }
0x5c: {  	_ =	shalt  }
0x5d: {  	_ =	shalt  }
0x5e: {  	_ =	shalt  }
0x5f: {  	_ =	shalt  }
0x60: {  	_ =	shalt  }
0x61: {  	_ =	shalt  }
0x62: {  	_ =	shalt  }
0x63: {  	_ =	shalt  }
0x64: {  	_ =	shalt  }
0x65: {  	_ =	shalt  }
0x66: {  	_ =	shalt  }
0x67: {  	_ =	shalt  }
0x68: {  	_ =	shalt  }
0x69: {  	_ =	shalt  }
0x6a: {  	_ =	shalt  }
0x6b: {  	_ =	shalt  }
0x6c: {  	_ =	shalt  }
0x6d: {  	_ =	shalt  }
0x6e: {  	_ =	shalt  }
0x6f: {  	_ =	shalt  }
0x70: {  	_ =	shalt  }
0x71: {  	_ =	shalt  }
0x72: {  	_ =	shalt  }
0x73: {  	_ =	shalt  }
0x74: {  	_ =	shalt  }
0x75: {  	_ =	shalt  }
0x76: {  	_ =	shalt  }
0x77: {  	_ =	shalt  }
0x78: {  	_ =	shalt  }
0x79: {  	_ =	shalt  }
0x7a: {  	_ =	shalt  }
0x7b: {  	_ =	shalt  }
0x7c: {  	_ =	shalt  }
0x7d: {  	_ =	shalt  }
0x7e: {  	_ =	shalt  }
0x7f: {  	_ =	shalt  }
0x80: {  	_ =	shalt  }
0x81: {  	_ =	shalt  }
0x82: {  	_ =	shalt  }
0x83: {  	_ =	shalt  }
0x84: {  	_ =	shalt  }
0x85: {  	_ =	shalt  }
0x86: {  	_ =	shalt  }
0x87: {  	_ =	shalt  }
.Lfunc_end0:
.L_simem_size_0:
called_computation_lowered:
.L_overlay_start_0:
0x88: {  	s2 =	sld [smem:$0x3FD9]  }
0x89: {  	s3 =	sld [smem:$0x3FFE];
	_ =	sdelay $0x1  }
0x8a: {  	s1 =	srdreg.scid  }
0x8b: {  	s0 =	sand.u32 $0x1, s1  }
0x8c: {  	s18 =	sshll.u32 s0, $0xA;
	s2 =	sadd.s32 s3, s2  }
0x8d: {  	s2 =	sadd.s32 s2, s18  }
0x8e: {  	[smem:$0x3FC7] =	sst s2  }
0x8f: {  	_ = 	snop  }
0x90: {  	s2 =	sld [smem:$0x3FC9]  }
0x91: {  	s19 =	sld [smem:$0x3FD0];
	(tm) =	ssettm $0x1  }
0x92: {  	s4 =	sld [smem:$0x3FFB];
	_ =	sdelay $0x3  }
0x93: {  	_ =	strace s4  }
0x94: {  	s4 =	sld [smem:$0x3FFC];
	_ =	sdelay $0x3  }
0x95: {  	_ =	strace s4  }
0x96: {  	s4 =	sld [smem:$0x3FFD];
	_ =	sdelay $0x3  }
0x97: {  	_ =	strace s4  }
0x98: {  	_ =	strace $0x8FFFFFFF  }
0x99: {  	s20 =	sld [smem:$0x3FDB];
	_ =	sdelay $0x1  }
0x9a: {  	s5 =	simm.s32 $_scs_section_size  }
0x9b: {  	s6 =	simm.s32 $_size__tile_overlayer_lowered;
	s7 =	simm.s32 $_tile_overlayer_lowered  }
0x9c: {  	s23 =	simm.s32 $0x1BFF;
	s22 =	sshll.u32 s7, $0x1;
	s4 =	sadd.s32 s5, s20  }
0x9d: {  	s8 =	simm.s32 $0x0;
	s21 =	sshll.u32 s6, $0x1;
	s6 =	sadd.s32 s22, s4  }
0x9e: {  	[timem:s8], [sflag:s23] =	dma.local [hbm:s6], s21  }
0x9f: {  	_ =	swait.ge [sflag:s23], s21  }
0xa0: {  	s5 =	ssub.s32 $0x0, s21;
	[sflag:s23] =	ssyncset.done $0x0  }
0xa1: {  	[sflag:s23] =	ssyncadd.s32 s5;
	_ =	sdelay $0x1  }
0xa2: {  	s24 =	simm.s32 $0x1B8B  }
0xa3: {  	_ =	swait.ge [sflag:s24], $0x1  }
0xa4: {  	[sflag:s24] =	ssyncset.done $0x0  }
0xa5: {  	s25 =	simm.s32 $0x1B8E;
	[sflag:s24] =	ssyncadd.s32 $0xFFFFFFFF  }
0xa6: {  	s26 =	simm.s32 $execute0_lowered;
	[smem:$0x3FD2] =	sst s25  }
0xa7: {  	s5 =	sshll.u32 s26, $0x1;
	_ =	strace $0x80000046;
	[dreg:$0x1] =	wrdreg $0xFFFFFFFF  }
0xa8: {  	s28 =	simm.s32 $_size_execute0_lowered;
	s4 =	sadd.s32 s4, s5;
	[dreg:$0x0] =	wrdreg $0x0  }
0xa9: {  	s5 =	sshll.u32 s28, $0x1;
	[dreg:$0x2] =	wrdreg s4  }
0xaa: {  	[dreg:$0x3] =	wrdreg s5  }
0xab: {  	[dreg:$0x4] =	wrdreg $0xC0  }
0xac: {  	_ =	task [dreg:s8], $0x5FFFF  }
0xad: {  	[dreg:$0x1] =	wrdreg $0xFFFFFFFF  }
0xae: {  	[dreg:$0x0] =	wrdreg $0x60  }
0xaf: {  	[dreg:$0x2] =	wrdreg s2  }
0xb0: {  	[dreg:$0x3] =	wrdreg s19  }
0xb1: {  	[dreg:$0x4] =	wrdreg $0x9  }
0xb2: {  	_ =	task.clear_ibuf [dreg:s8], $0x5FFFF;
	_ =	strace $0x90000046  }
0xb3: {  	s29 =	simm.s32 $0x9;
	_ =	strace $0x80000048  }
0xb4: {  	_ =	swait.ge [sflag:s29], $0x1  }
0xb5: {  	[sflag:s29] =	ssyncadd.s32 $0xFFFFFFFF  }
0xb6: {  	_ =	strace $0x90000048  }
0xb7: {  	_ =	sfence  }
0xb8: {  	s30 =	sld [smem:$0x0];
	_ =	sdelay $0x2  }
0xb9: {  	s31 =	sshll.u32 s1, $0xD;
	s1 =	sshrl.u32 s1, $0x2  }
0xba: {  	s3 =	sand.u32 $0x4000, s31;
	s1 =	sadd.s32 s1, s30  }
0xbb: {  	s0 =	sor.u32 s3, s0;
	s1 =	sshll.u32 s1, $0x11  }
0xbc: {  	s0 =	sor.u32 s1, s0  }
0xbd: {  	s0 =	sadd.s32 $0x8F2B, s0  }
0xbe: {  	[sflag:s0] =	ssyncadd.remote.s32 $0x1  }
0xbf: {  	_ =	sfence.sel $0xFFFF  }
0xc0: {  	[dreg:$0x0] =	wrdreg $0xFFFFFFFF;
	(pc) =	sbr.abs _section_cstart, $3  }
0xc1: {  	[dreg:$0x1] =	wrdreg $0xFFFFFFFF  }
0xc2: {  	_ =	task.clear_ibuf [dreg:s8], $0x2FFFF;
	_ =	strace $0x9FFFFFFF  }
0xc3: {  	(tm) =	ssettm $0x7FFFFFFF  }
tec
execute0_lowered:
.L_overlay_start_1:
0x0: {  	(tag) =	ssettag $0x1  }
0x1: {  	s1 =	srdreg.scid  }
0x2: {  	s0 =	stileid.u32;
	s2 =	rddreg [dreg:$0x0]  }
0x3: {  	s3 =	rddreg [dreg:$0x1];
	s4 =	simm.s32 $0x0;
	s14 =	simm.s32 $0x400  }
0x4: {  	s15 =	simm.s32 $0x7A1400;
	s16 =	simm.s32 $0x1000;
	s17 =	simm.s32 $0x1  }
0x5: {  	s18 =	simm.s32 $0x2000;
	s19 =	simm.s32 $0x2;
	s20 =	simm.s32 $0x3000  }
0x6: {  	s21 =	simm.s32 $0x3;
	s5 =	sand.u32 $0x1, s1;
	s29 =	sshll.u32 s0, $0x1  }
0x7: {  	s22 =	simm.s32 $0x4;
	s23 =	simm.s32 $0x0;
	s6 =	sor.u32 s5, s29  }
0x8: {  	v0 =	vlaneseq.u32;
	s1 =	rddreg [dreg:$0x2];
	s5 =	ssub.s32 $0x2, s5;
	s7 =	smul.u32 $0xF4, s6  }
0x9: {  	[smem:$0x7FF] =	sst s4;
	v1 =	vmul.u32 $0x80, v0;
	s6 =	smin.u32 s6, $0x4;
	s8 =	sshrl.u32 s5, $0x1  }
0xa: {  	v17 =	vor.u32 $0x10, v0;
	_ =	strace $0x80000047;
	s13 =	ssub.s32 s5, s8;
	s12 =	sadd.s32 s6, s7  }
0xb: {  	v2 =	vor.u32 $0x800, v1;
	v3 =	vor.u32 $0x10, v1;
	v4 =	vor.u32 $0x810, v1;
	s13 =	smax.u32 s13, $0x1;
	s6 =	sshll.u32 s12, $0x7;
	s9 =	sshll.u32 s12, $0x9  }
0xc: {  	v5 =	vor.u32 $0x20, v1;
	v6 =	vor.u32 $0x820, v1;
	v7 =	vor.u32 $0x30, v1;
	s10 =	sadd.s32 $0x1, s12;
	s11 =	sadd.s32 $0x4, s12;
	s5 =	sadd.s32 s2, s6  }
0xd: {  	v8 =	vor.u32 $0x830, v1;
	v9 =	vor.u32 $0x40, v1;
	v10 =	vor.u32 $0x840, v1;
	s30 =	sadd.s32 $0x80, s6;
	s6 =	sadd.s32 $0x100, s6;
	s8 =	sadd.s32 s3, s9  }
0xe: {  	v11 =	vor.u32 $0x50, v1;
	v12 =	vor.u32 $0x850, v1;
	v13 =	vor.u32 $0x60, v1;
	s9 =	sadd.s32 $0x3, s12;
	s7 =	sand.u32 $0x1FFFFF80, s30;
	s31 =	sand.u32 $0x1FFFFF80, s6  }
0xf: {  	v14 =	vor.u32 $0x860, v1;
	v15 =	vor.u32 $0x70, v1;
	v16 =	vor.u32 $0x870, v1;
	s12 =	sadd.s32 $0x2, s12;
	s6 =	sadd.s32 s2, s7;
	s7 =	sadd.s32 s2, s31  }
.LBB2_1:
0x10: {  	[tilespmem:s4], [sflag:$0x1] =	stream.strided.gather [hbm4b:s5+s14], $0x1000, s15, s14, $0x38;
	v24 =	vadd.s32 s4, v0;
	[tilespmem:$0x4000] =	vst v63  }
0x11: {  	v18 =	vor.u32 v3, v24  }
0x12: {  	v31 =	vor.u32 v7, v24;
	[tilespmem:s16], [sflag:$0x2] =	stream.strided.gather [hbm4b:s6+s14], $0x1000, s15, s14, $0x38;
	[tilespmem:$0x4000] =	vst v63  }
0x13: {  	v34 =	vor.u32 v8, v24;
	_ =	swait.ge [sflag:s17], $0x1000  }
0x14: {  	v26 =	vand.u32 $0xF, v24;
	v35 =	vor.u32 v4, v24;
	[sflag:s17] =	ssyncset.done $0x0  }
0x15: {  	v19 =	vor.u32 v5, v26;
	[sflag:s17] =	ssyncadd.s32 $0xFFFFF000  }
0x16: {  	v22 =	vor.u32 v13, v26;
	v27 =	vld.idx.msk [tilespmem:v18+s4+$0x0], $0xffff  }
0x17: {  	v23 =	vor.u32 v1, v26;
	v38 =	vld.idx.msk [tilespmem:v31+s4+$0x0], $0xffff  }
0x18: {  	v28 =	vor.u32 v11, v24;
	v39 =	vld.idx.msk [tilespmem:v34+s4+$0x0], $0xffff  }
0x19: {  	v29 =	vor.u32 v12, v24;
	v44 =	vld.idx.msk [tilespmem:v35+s4+$0x0], $0xffff  }
0x1a: {  	v25 =	vor.u32 v15, v24;
	v40 =	vld.idx.msk [tilespmem:v19+s4+$0x0], $0xffff  }
0x1b: {  	v30 =	vor.u32 v10, v26;
	v18 =	vld.idx.msk [tilespmem:v22+s4+$0x0], $0xffff  }
0x1c: {  	v33 =	vor.u32 v2, v26;
	v32 =	vld.idx.msk [tilespmem:v23+s4+$0x0], $0xffff  }
0x1d: {  	v20 =	vor.u32 v9, v26;
	v22 =	vld.idx.msk [tilespmem:v28+s4+$0x0], $0xffff;
	v28 =	vshll.u32 v24, $0x5  }
0x1e: {  	v21 =	vor.u32 v6, v26;
	v23 =	vld.idx.msk [tilespmem:v29+s4+$0x0], $0xffff;
	v29 =	vand.u32 $0x60, v28  }
0x1f: {  	v19 =	vld.idx.msk [tilespmem:v25+s4+$0x0], $0xffff;
	v24 =	vor.u32 v16, v24;
	v28 =	vand.u32 $0x180, v28;
	v41 =	vor.u32 v0, v29  }
0x20: {  	v25 =	vld.idx.msk [tilespmem:v30+s4+$0x0], $0xffff;
	v30 =	vor.u32 v14, v26;
	v42 =	vor.u32 v17, v29;
	v31 =	vor.u32 v28, v41  }
0x21: {  	v36 =	vld.idx.msk [tilespmem:v33+s4+$0x0], $0xffff;
	v26 =	vor.u32 $0x200, v28;
	v43 =	vor.u32 v28, v42  }
0x22: {  	v20 =	vld.idx.msk [tilespmem:v20+s4+$0x0], $0xffff;
	v29 =	vor.u32 $0x400, v28;
	v61 =	vor.u32 v41, v26  }
0x23: {  	v21 =	vld.idx.msk [tilespmem:v21+s4+$0x0], $0xffff;
	v62 =	vor.u32 $0x800, v28;
	v63 =	vor.u32 $0xC00, v28;
	v45 =	vor.u32 v42, v26  }
0x24: {  	v46 =	vor.u32 v41, v29;
	v26 =	vor.u32 v42, v29;
	v29 =	vor.u32 $0x600, v28;
	v24 =	vld.idx.msk [tilespmem:v24+s4+$0x0], $0xffff  }
0x25: {  	v37 =	vor.u32 v41, v62;
	v35 =	vor.u32 v42, v62;
	v33 =	vld.idx.msk [tilespmem:v30+s4+$0x0], $0xffff;
	[tilespmem:v31+s18+$0x0] =	vst.idx.msk $0xffff, v32  }
0x26: {  	v30 =	vor.u32 v41, v29;
	v29 =	vor.u32 v42, v29;
	v31 =	vor.u32 $0xA00, v28;
	[tilespmem:v43+s18+$0x0] =	vst.idx.msk $0xffff, v36  }
0x27: {  	v28 =	vor.u32 $0xE00, v28;
	v36 =	vor.u32 v41, v31;
	v32 =	vor.u32 v42, v31;
	[tilespmem:v61+s18+$0x0] =	vst.idx.msk $0xffff, v27  }
0x28: {  	v31 =	vor.u32 v41, v63;
	v34 =	vor.u32 v41, v28;
	[tilespmem:v45+s18+$0x0] =	vst.idx.msk $0xffff, v44  }
0x29: {  	s24 =	simm.s32 $0x1;
	v28 =	vor.u32 v42, v28;
	v27 =	vor.u32 v42, v63;
	[tilespmem:v46+s18+$0x0] =	vst.idx.msk $0xffff, v40  }
.LBB2_2:
0x2a: {  	p0 =	sne.s32 s24, $0xF;
	[tilespmem:v26+s18+$0x0] =	vst.idx.msk $0xffff, v21;
	s25 =	smov.u32 s24;
	s24 =	sadd.s32 $0x1, s24  }
0x2b: {  	[tilespmem:v30+s18+$0x0] =	vst.idx.msk $0xffff, v38  }
0x2c: {  	[tilespmem:v29+s18+$0x0] =	vst.idx.msk $0xffff, v39  }
0x2d: {  	[tilespmem:v37+s18+$0x0] =	vst.idx.msk $0xffff, v20  }
0x2e: {  	[tilespmem:v35+s18+$0x0] =	vst.idx.msk $0xffff, v25  }
0x2f: {  	v38 =	vadd.s32 s25, v0;
	[tilespmem:v36+s18+$0x0] =	vst.idx.msk $0xffff, v22  }
0x30: {  	v20 =	vor.u32 v3, v38;
	v25 =	vor.u32 v11, v38;
	v22 =	vand.u32 $0xF, v38;
	[tilespmem:v32+s18+$0x0] =	vst.idx.msk $0xffff, v23  }
0x31: {  	v21 =	vshll.u32 v38, $0x5;
	v23 =	vor.u32 v1, v22;
	v39 =	vor.u32 v2, v22;
	[tilespmem:v31+s18+$0x0] =	vst.idx.msk $0xffff, v18  }
0x32: {  	v26 =	vand.u32 $0x60, v21;
	v29 =	vor.u32 v6, v22;
	v18 =	vor.u32 v5, v22;
	[tilespmem:v27+s18+$0x0] =	vst.idx.msk $0xffff, v33  }
0x33: {  	v27 =	vor.u32 v9, v22;
	v33 =	vor.u32 v0, v26;
	[tilespmem:v34+s18+$0x0] =	vst.idx.msk $0xffff, v19  }
0x34: {  	v40 =	vor.u32 v17, v26;
	v34 =	vor.u32 v10, v22;
	v19 =	vor.u32 v13, v22  }
0x35: {  	v41 =	vor.u32 v7, v38;
	v42 =	vor.u32 v8, v38;
	[tilespmem:v28+s18+$0x0] =	vst.idx.msk $0xffff, v24  }
0x36: {  	v44 =	vand.u32 $0x180, v21;
	v24 =	vor.u32 v12, v38;
	v28 =	vor.u32 v15, v38;
	v43 =	vld.idx.msk [tilespmem:v20+s4+$0x0], $0xffff  }
0x37: {  	v47 =	vor.u32 v44, v40;
	v46 =	vor.u32 v44, v33;
	v45 =	vld.idx.msk [tilespmem:v18+s4+$0x0], $0xffff;
	v18 =	vor.u32 $0x400, v44  }
0x38: {  	v20 =	vld.idx.msk [tilespmem:v27+s4+$0x0], $0xffff;
	v27 =	vor.u32 $0x200, v44;
	v48 =	vor.u32 v33, v18;
	v26 =	vor.u32 v40, v18  }
0x39: {  	v49 =	vor.u32 v14, v22;
	v22 =	vor.u32 $0x600, v44;
	v21 =	vld.idx.msk [tilespmem:v29+s4+$0x0], $0xffff;
	v50 =	vor.u32 v33, v27  }
0x3a: {  	v30 =	vor.u32 v33, v22;
	v51 =	vor.u32 v40, v27;
	v29 =	vor.u32 v40, v22;
	v18 =	vld.idx.msk [tilespmem:v19+s4+$0x0], $0xffff  }
0x3b: {  	v22 =	vor.u32 $0x800, v44;
	v27 =	vor.u32 $0xC00, v44;
	v52 =	vld.idx.msk [tilespmem:v23+s4+$0x0], $0xffff;
	v23 =	vor.u32 $0xA00, v44  }
0x3c: {  	v37 =	vor.u32 v33, v22;
	v35 =	vor.u32 v40, v22;
	v19 =	vld.idx.msk [tilespmem:v28+s4+$0x0], $0xffff;
	v36 =	vor.u32 v33, v23  }
0x3d: {  	v31 =	vor.u32 v33, v27;
	v27 =	vor.u32 v40, v27;
	v32 =	vor.u32 v40, v23;
	v22 =	vld.idx.msk [tilespmem:v25+s4+$0x0], $0xffff  }
0x3e: {  	v53 =	vor.u32 v4, v38;
	v23 =	vld.idx.msk [tilespmem:v24+s4+$0x0], $0xffff;
	v24 =	vor.u32 $0xE00, v44  }
0x3f: {  	v44 =	vor.u32 v16, v38;
	v25 =	vld.idx.msk [tilespmem:v34+s4+$0x0], $0xffff;
	v34 =	vor.u32 v33, v24;
	v28 =	vor.u32 v40, v24  }
0x40: {  	v38 =	vld.idx.msk [tilespmem:v41+s4+$0x0], $0xffff  }
0x41: {  	v40 =	vld.idx.msk [tilespmem:v39+s4+$0x0], $0xffff  }
0x42: {  	v39 =	vld.idx.msk [tilespmem:v42+s4+$0x0], $0xffff  }
0x43: {  	v41 =	vld.idx.msk [tilespmem:v53+s4+$0x0], $0xffff  }
0x44: {  	v24 =	vld.idx.msk [tilespmem:v44+s4+$0x0], $0xffff  }
0x45: {  	v33 =	vld.idx.msk [tilespmem:v49+s4+$0x0], $0xffff  }
.Ltmp0:
0x46: {  	[tilespmem:v46+s18+$0x0] =	vst.idx.msk $0xffff, v52;
	(pc) =	sbr.rel @p0 .LBB2_2-.Ltmp0, $4  }
0x47: {  	[tilespmem:v47+s18+$0x0] =	vst.idx.msk $0xffff, v40  }
0x48: {  	[tilespmem:v50+s18+$0x0] =	vst.idx.msk $0xffff, v43  }
0x49: {  	[tilespmem:v51+s18+$0x0] =	vst.idx.msk $0xffff, v41  }
0x4a: {  	[tilespmem:v48+s18+$0x0] =	vst.idx.msk $0xffff, v45  }
0x4b: {  	_ =	sdelay $0x3  }
0x4c: {  	[tilespmem:v26+s18+$0x0] =	vst.idx.msk $0xffff, v21  }
0x4d: {  	[tilespmem:v30+s18+$0x0] =	vst.idx.msk $0xffff, v38  }
0x4e: {  	[tilespmem:v29+s18+$0x0] =	vst.idx.msk $0xffff, v39  }
0x4f: {  	[tilespmem:v37+s18+$0x0] =	vst.idx.msk $0xffff, v20  }
0x50: {  	[tilespmem:v35+s18+$0x0] =	vst.idx.msk $0xffff, v25  }
0x51: {  	[tilespmem:v36+s18+$0x0] =	vst.idx.msk $0xffff, v22  }
0x52: {  	[tilespmem:v32+s18+$0x0] =	vst.idx.msk $0xffff, v23  }
0x53: {  	[tilespmem:v31+s18+$0x0] =	vst.idx.msk $0xffff, v18  }
0x54: {  	[tilespmem:v27+s18+$0x0] =	vst.idx.msk $0xffff, v33  }
0x55: {  	[tilespmem:v34+s18+$0x0] =	vst.idx.msk $0xffff, v19  }
0x56: {  	s24 =	simm.s32 $0x0;
	[tilespmem:v28+s18+$0x0] =	vst.idx.msk $0xffff, v24  }
0x57: {  	[tilespmem:s24], [sflag:$0x1] =	stream.strided.gather [hbm4b:s7+s14], $0x1000, s15, s14, $0x38;
	[tilespmem:$0x4000] =	vst v63  }
0x58: {  	s25 =	simm.s32 $0x0  }
0x59: {  	[hbm4b:s8+s24] =	stream.linear.scatter [tilespmem:s18], [sflag:$0x3], $0x1000, $0x38;
	[tilespmem:$0x4000] =	vst v63  }
.LBB2_4:
0x5a: {  	_ =	swait.ge [sflag:s19], $0x1000;
	v24 =	vadd.s32 s24, v0  }
0x5b: {  	p0 =	seq.s32 s25, $0x0;
	[sflag:s19] =	ssyncset.done $0x0;
	v18 =	vor.u32 v3, v24  }
0x5c: {  	s26 =	simm.s32 @!p0 $0x4;
	v31 =	vor.u32 v7, v24;
	[sflag:s19] =	ssyncadd.s32 $0xFFFFF000  }
0x5d: {  	v34 =	vor.u32 v8, v24;
	_ =	swait.ge @!p0 [sflag:s26], $0x1000  }
0x5e: {  	v26 =	vand.u32 $0xF, v24;
	v35 =	vor.u32 v4, v24;
	[sflag:s26] =	ssyncset.done @!p0 $0x0  }
0x5f: {  	v19 =	vor.u32 v5, v26;
	[sflag:s26] =	ssyncadd.s32 @!p0 $0xFFFFF000  }
0x60: {  	v22 =	vor.u32 v13, v26;
	v27 =	vld.idx.msk [tilespmem:v18+s16+$0x0], $0xffff  }
0x61: {  	v23 =	vor.u32 v1, v26;
	v38 =	vld.idx.msk [tilespmem:v31+s16+$0x0], $0xffff  }
0x62: {  	v28 =	vor.u32 v11, v24;
	v39 =	vld.idx.msk [tilespmem:v34+s16+$0x0], $0xffff  }
0x63: {  	v29 =	vor.u32 v12, v24;
	v46 =	vld.idx.msk [tilespmem:v35+s16+$0x0], $0xffff  }
0x64: {  	v20 =	vor.u32 v9, v26;
	v40 =	vld.idx.msk [tilespmem:v19+s16+$0x0], $0xffff  }
0x65: {  	v21 =	vor.u32 v6, v26;
	v18 =	vld.idx.msk [tilespmem:v22+s16+$0x0], $0xffff  }
0x66: {  	v32 =	vor.u32 v2, v26;
	v33 =	vld.idx.msk [tilespmem:v23+s16+$0x0], $0xffff  }
0x67: {  	v25 =	vor.u32 v15, v24;
	v22 =	vld.idx.msk [tilespmem:v28+s16+$0x0], $0xffff;
	v28 =	vshll.u32 v24, $0x5  }
0x68: {  	v30 =	vor.u32 v10, v26;
	v23 =	vld.idx.msk [tilespmem:v29+s16+$0x0], $0xffff;
	v29 =	vand.u32 $0x60, v28  }
0x69: {  	v20 =	vld.idx.msk [tilespmem:v20+s16+$0x0], $0xffff;
	v24 =	vor.u32 v16, v24;
	v42 =	vand.u32 $0x180, v28;
	v41 =	vor.u32 v0, v29  }
0x6a: {  	v21 =	vld.idx.msk [tilespmem:v21+s16+$0x0], $0xffff;
	v28 =	vor.u32 v14, v26;
	v43 =	vor.u32 v17, v29;
	v31 =	vor.u32 v42, v41  }
0x6b: {  	v36 =	vld.idx.msk [tilespmem:v32+s16+$0x0], $0xffff;
	v26 =	vor.u32 $0x200, v42;
	v44 =	vor.u32 v42, v43  }
0x6c: {  	v19 =	vld.idx.msk [tilespmem:v25+s16+$0x0], $0xffff;
	v29 =	vor.u32 $0x400, v42;
	v45 =	vor.u32 v41, v26;
	v47 =	vor.u32 v43, v26  }
0x6d: {  	v25 =	vld.idx.msk [tilespmem:v30+s16+$0x0], $0xffff;
	v48 =	vor.u32 v41, v29;
	v26 =	vor.u32 v43, v29;
	v29 =	vor.u32 $0x600, v42  }
0x6e: {  	v30 =	vor.u32 v41, v29;
	v24 =	vld.idx.msk [tilespmem:v24+s16+$0x0], $0xffff  }
0x6f: {  	v29 =	vor.u32 v43, v29;
	v32 =	vld.idx.msk [tilespmem:v28+s16+$0x0], $0xffff;
	v28 =	vor.u32 $0x800, v42;
	[tilespmem:v31+s20+$0x0] =	vst.idx.msk $0xffff, v33  }
0x70: {  	v37 =	vor.u32 v41, v28;
	v35 =	vor.u32 v43, v28;
	v31 =	vor.u32 $0xA00, v42;
	[tilespmem:v44+s20+$0x0] =	vst.idx.msk $0xffff, v36  }
0x71: {  	v28 =	vor.u32 $0xC00, v42;
	v36 =	vor.u32 v41, v31;
	v34 =	vor.u32 v43, v31;
	[tilespmem:v45+s20+$0x0] =	vst.idx.msk $0xffff, v27  }
0x72: {  	v31 =	vor.u32 v41, v28;
	v28 =	vor.u32 v43, v28;
	v27 =	vor.u32 $0xE00, v42;
	[tilespmem:v47+s20+$0x0] =	vst.idx.msk $0xffff, v46  }
0x73: {  	s28 =	simm.s32 $0x1;
	s26 =	sshll.u32 s25, $0x1;
	v33 =	vor.u32 v41, v27;
	v27 =	vor.u32 v43, v27;
	[tilespmem:v48+s20+$0x0] =	vst.idx.msk $0xffff, v40  }
.LBB2_5:
0x74: {  	p0 =	sne.s32 s28, $0xF;
	[tilespmem:v26+s20+$0x0] =	vst.idx.msk $0xffff, v21;
	s29 =	smov.u32 s28;
	s28 =	sadd.s32 $0x1, s28  }
0x75: {  	[tilespmem:v30+s20+$0x0] =	vst.idx.msk $0xffff, v38  }
0x76: {  	[tilespmem:v29+s20+$0x0] =	vst.idx.msk $0xffff, v39  }
0x77: {  	[tilespmem:v37+s20+$0x0] =	vst.idx.msk $0xffff, v20  }
0x78: {  	[tilespmem:v35+s20+$0x0] =	vst.idx.msk $0xffff, v25  }
0x79: {  	v38 =	vadd.s32 s29, v0;
	[tilespmem:v36+s20+$0x0] =	vst.idx.msk $0xffff, v22  }
0x7a: {  	v20 =	vor.u32 v3, v38;
	v25 =	vor.u32 v11, v38;
	v22 =	vand.u32 $0xF, v38;
	[tilespmem:v34+s20+$0x0] =	vst.idx.msk $0xffff, v23  }
0x7b: {  	v21 =	vshll.u32 v38, $0x5;
	v23 =	vor.u32 v1, v22;
	v39 =	vor.u32 v2, v22;
	[tilespmem:v31+s20+$0x0] =	vst.idx.msk $0xffff, v18  }
0x7c: {  	v26 =	vand.u32 $0x60, v21;
	v29 =	vor.u32 v6, v22;
	v18 =	vor.u32 v5, v22;
	[tilespmem:v28+s20+$0x0] =	vst.idx.msk $0xffff, v32  }
0x7d: {  	v28 =	vor.u32 v9, v22;
	v32 =	vor.u32 v0, v26;
	[tilespmem:v33+s20+$0x0] =	vst.idx.msk $0xffff, v19  }
0x7e: {  	v40 =	vor.u32 v17, v26;
	v33 =	vor.u32 v10, v22;
	v19 =	vor.u32 v13, v22  }
0x7f: {  	v41 =	vor.u32 v7, v38;
	v42 =	vor.u32 v8, v38;
	[tilespmem:v27+s20+$0x0] =	vst.idx.msk $0xffff, v24  }
0x80: {  	v44 =	vand.u32 $0x180, v21;
	v24 =	vor.u32 v12, v38;
	v27 =	vor.u32 v15, v38;
	v43 =	vld.idx.msk [tilespmem:v20+s16+$0x0], $0xffff  }
0x81: {  	v47 =	vor.u32 v44, v40;
	v46 =	vor.u32 v44, v32;
	v45 =	vld.idx.msk [tilespmem:v18+s16+$0x0], $0xffff;
	v18 =	vor.u32 $0x400, v44  }
0x82: {  	v20 =	vld.idx.msk [tilespmem:v28+s16+$0x0], $0xffff;
	v28 =	vor.u32 $0x200, v44;
	v48 =	vor.u32 v32, v18;
	v26 =	vor.u32 v40, v18  }
0x83: {  	v49 =	vor.u32 v14, v22;
	v22 =	vor.u32 $0x600, v44;
	v21 =	vld.idx.msk [tilespmem:v29+s16+$0x0], $0xffff;
	v50 =	vor.u32 v32, v28  }
0x84: {  	v30 =	vor.u32 v32, v22;
	v51 =	vor.u32 v40, v28;
	v29 =	vor.u32 v40, v22;
	v18 =	vld.idx.msk [tilespmem:v19+s16+$0x0], $0xffff  }
0x85: {  	v22 =	vor.u32 $0x800, v44;
	v28 =	vor.u32 $0xC00, v44;
	v52 =	vld.idx.msk [tilespmem:v23+s16+$0x0], $0xffff;
	v23 =	vor.u32 $0xA00, v44  }
0x86: {  	v37 =	vor.u32 v32, v22;
	v35 =	vor.u32 v40, v22;
	v19 =	vld.idx.msk [tilespmem:v27+s16+$0x0], $0xffff;
	v36 =	vor.u32 v32, v23  }
0x87: {  	v31 =	vor.u32 v32, v28;
	v28 =	vor.u32 v40, v28;
	v34 =	vor.u32 v40, v23;
	v22 =	vld.idx.msk [tilespmem:v25+s16+$0x0], $0xffff  }
0x88: {  	v53 =	vor.u32 v4, v38;
	v23 =	vld.idx.msk [tilespmem:v24+s16+$0x0], $0xffff;
	v24 =	vor.u32 $0xE00, v44  }
0x89: {  	v44 =	vor.u32 v16, v38;
	v25 =	vld.idx.msk [tilespmem:v33+s16+$0x0], $0xffff;
	v33 =	vor.u32 v32, v24;
	v27 =	vor.u32 v40, v24  }
0x8a: {  	v38 =	vld.idx.msk [tilespmem:v41+s16+$0x0], $0xffff  }
0x8b: {  	v40 =	vld.idx.msk [tilespmem:v39+s16+$0x0], $0xffff  }
0x8c: {  	v39 =	vld.idx.msk [tilespmem:v42+s16+$0x0], $0xffff  }
0x8d: {  	v41 =	vld.idx.msk [tilespmem:v53+s16+$0x0], $0xffff  }
0x8e: {  	v24 =	vld.idx.msk [tilespmem:v44+s16+$0x0], $0xffff  }
0x8f: {  	v32 =	vld.idx.msk [tilespmem:v49+s16+$0x0], $0xffff  }
.Ltmp1:
0x90: {  	[tilespmem:v46+s20+$0x0] =	vst.idx.msk $0xffff, v52;
	(pc) =	sbr.rel @p0 .LBB2_5-.Ltmp1, $4  }
0x91: {  	[tilespmem:v47+s20+$0x0] =	vst.idx.msk $0xffff, v40  }
0x92: {  	[tilespmem:v50+s20+$0x0] =	vst.idx.msk $0xffff, v43  }
0x93: {  	[tilespmem:v51+s20+$0x0] =	vst.idx.msk $0xffff, v41  }
0x94: {  	[tilespmem:v48+s20+$0x0] =	vst.idx.msk $0xffff, v45  }
0x95: {  	_ =	sdelay $0x3  }
0x96: {  	[tilespmem:v26+s20+$0x0] =	vst.idx.msk $0xffff, v21  }
0x97: {  	[tilespmem:v30+s20+$0x0] =	vst.idx.msk $0xffff, v38  }
0x98: {  	[tilespmem:v29+s20+$0x0] =	vst.idx.msk $0xffff, v39  }
0x99: {  	[tilespmem:v37+s20+$0x0] =	vst.idx.msk $0xffff, v20  }
0x9a: {  	[tilespmem:v35+s20+$0x0] =	vst.idx.msk $0xffff, v25  }
0x9b: {  	[tilespmem:v36+s20+$0x0] =	vst.idx.msk $0xffff, v22  }
0x9c: {  	p0 =	seq.s32 s25, $0x79;
	[tilespmem:v34+s20+$0x0] =	vst.idx.msk $0xffff, v23  }
0x9d: {  	s28 =	sadd.s32 @!p0 s26, s9;
	[tilespmem:v31+s20+$0x0] =	vst.idx.msk $0xffff, v18  }
0x9e: {  	s28 =	smin.u32 @!p0 s28, $0x1E83;
	[tilespmem:v28+s20+$0x0] =	vst.idx.msk $0xffff, v32  }
0x9f: {  	s29 =	simm.s32 @!p0 $0x400;
	s28 =	sshll.u32 @!p0 s28, $0x7;
	[tilespmem:v33+s20+$0x0] =	vst.idx.msk $0xffff, v19  }
0xa0: {  	s30 =	simm.s32 @!p0 $0x7A1400;
	s31 =	simm.s32 @!p0 $0x1000;
	s28 =	sadd.s32 @!p0 s2, s28;
	[tilespmem:v27+s20+$0x0] =	vst.idx.msk $0xffff, v24  }
0xa1: {  	[tilespmem:s31], [sflag:$0x2] =	stream.strided.gather @!p0 [hbm4b:s28+s29], $0x1000, s30, s29, $0x38;
	[tilespmem:$0x4000] =	vst v63  }
0xa2: {  	s28 =	sadd.s32 s26, s10  }
0xa3: {  	s28 =	sshll.u32 s28, $0x9  }
0xa4: {  	s28 =	sand.u32 $0x1FFFFE00, s28  }
0xa5: {  	s31 =	simm.s32 $0x0;
	s28 =	sadd.s32 s3, s28  }
0xa6: {  	[hbm4b:s28+s31] =	stream.linear.scatter [tilespmem:s20], [sflag:$0x4], $0x1000, $0x38;
	[tilespmem:$0x4000] =	vst v63  }
0xa7: {  	v24 =	vadd.s32 s31, v0;
	_ =	swait.ge [sflag:s17], $0x1000  }
0xa8: {  	v26 =	vand.u32 $0xF, v24;
	v18 =	vor.u32 v3, v24;
	[sflag:s17] =	ssyncset.done $0x0  }
0xa9: {  	v19 =	vor.u32 v5, v26;
	[sflag:s17] =	ssyncadd.s32 $0xFFFFF000  }
0xaa: {  	v20 =	vor.u32 v9, v26;
	_ =	swait.ge [sflag:s21], $0x1000  }
0xab: {  	v21 =	vor.u32 v6, v26;
	[sflag:s21] =	ssyncset.done $0x0  }
0xac: {  	v22 =	vor.u32 v13, v26;
	[sflag:s21] =	ssyncadd.s32 $0xFFFFF000  }
0xad: {  	v23 =	vor.u32 v1, v26;
	v27 =	vld.idx.msk [tilespmem:v18+s4+$0x0], $0xffff  }
0xae: {  	v25 =	vor.u32 v15, v24;
	v40 =	vld.idx.msk [tilespmem:v19+s4+$0x0], $0xffff  }
0xaf: {  	v28 =	vor.u32 v11, v24;
	v20 =	vld.idx.msk [tilespmem:v20+s4+$0x0], $0xffff  }
0xb0: {  	v29 =	vor.u32 v12, v24;
	v21 =	vld.idx.msk [tilespmem:v21+s4+$0x0], $0xffff  }
0xb1: {  	v30 =	vor.u32 v10, v26;
	v18 =	vld.idx.msk [tilespmem:v22+s4+$0x0], $0xffff  }
0xb2: {  	v31 =	vor.u32 v7, v24;
	v59 =	vld.idx.msk [tilespmem:v23+s4+$0x0], $0xffff  }
0xb3: {  	v60 =	vor.u32 v2, v26;
	v19 =	vld.idx.msk [tilespmem:v25+s4+$0x0], $0xffff  }
0xb4: {  	v61 =	vor.u32 v8, v24;
	v22 =	vld.idx.msk [tilespmem:v28+s4+$0x0], $0xffff;
	v28 =	vshll.u32 v24, $0x5  }
0xb5: {  	v62 =	vor.u32 v4, v24;
	v23 =	vld.idx.msk [tilespmem:v29+s4+$0x0], $0xffff;
	v29 =	vand.u32 $0x60, v28  }
0xb6: {  	v25 =	vld.idx.msk [tilespmem:v30+s4+$0x0], $0xffff;
	v24 =	vor.u32 v16, v24;
	v42 =	vand.u32 $0x180, v28;
	v41 =	vor.u32 v0, v29  }
0xb7: {  	v38 =	vld.idx.msk [tilespmem:v31+s4+$0x0], $0xffff;
	v28 =	vor.u32 v14, v26;
	v43 =	vor.u32 v17, v29;
	v31 =	vor.u32 v42, v41  }
0xb8: {  	v63 =	vld.idx.msk [tilespmem:v60+s4+$0x0], $0xffff;
	v26 =	vor.u32 $0x200, v42;
	v44 =	vor.u32 v42, v43  }
0xb9: {  	v39 =	vld.idx.msk [tilespmem:v61+s4+$0x0], $0xffff;
	v29 =	vor.u32 $0x400, v42;
	v45 =	vor.u32 v41, v26;
	v47 =	vor.u32 v43, v26  }
0xba: {  	v46 =	vld.idx.msk [tilespmem:v62+s4+$0x0], $0xffff;
	v48 =	vor.u32 v41, v29;
	v26 =	vor.u32 v43, v29;
	v29 =	vor.u32 $0x600, v42  }
0xbb: {  	v30 =	vor.u32 v41, v29;
	v24 =	vld.idx.msk [tilespmem:v24+s4+$0x0], $0xffff  }
0xbc: {  	v29 =	vor.u32 v43, v29;
	v33 =	vld.idx.msk [tilespmem:v28+s4+$0x0], $0xffff;
	v28 =	vor.u32 $0x800, v42;
	[tilespmem:v31+s18+$0x0] =	vst.idx.msk $0xffff, v59  }
0xbd: {  	v37 =	vor.u32 v41, v28;
	v35 =	vor.u32 v43, v28;
	v31 =	vor.u32 $0xA00, v42;
	[tilespmem:v44+s18+$0x0] =	vst.idx.msk $0xffff, v63  }
0xbe: {  	v28 =	vor.u32 $0xC00, v42;
	v36 =	vor.u32 v41, v31;
	v34 =	vor.u32 v43, v31;
	[tilespmem:v45+s18+$0x0] =	vst.idx.msk $0xffff, v27  }
0xbf: {  	v31 =	vor.u32 v41, v28;
	v28 =	vor.u32 v43, v28;
	v27 =	vor.u32 $0xE00, v42;
	[tilespmem:v47+s18+$0x0] =	vst.idx.msk $0xffff, v46  }
0xc0: {  	s28 =	simm.s32 $0x1;
	v32 =	vor.u32 v41, v27;
	v27 =	vor.u32 v43, v27;
	[tilespmem:v48+s18+$0x0] =	vst.idx.msk $0xffff, v40  }
.LBB2_7:
0xc1: {  	p1 =	sne.s32 s28, $0xF;
	[tilespmem:v26+s18+$0x0] =	vst.idx.msk $0xffff, v21;
	s29 =	smov.u32 s28;
	s28 =	sadd.s32 $0x1, s28  }
0xc2: {  	[tilespmem:v30+s18+$0x0] =	vst.idx.msk $0xffff, v38  }
0xc3: {  	[tilespmem:v29+s18+$0x0] =	vst.idx.msk $0xffff, v39  }
0xc4: {  	[tilespmem:v37+s18+$0x0] =	vst.idx.msk $0xffff, v20  }
0xc5: {  	[tilespmem:v35+s18+$0x0] =	vst.idx.msk $0xffff, v25  }
0xc6: {  	v38 =	vadd.s32 s29, v0;
	[tilespmem:v36+s18+$0x0] =	vst.idx.msk $0xffff, v22  }
0xc7: {  	v20 =	vor.u32 v3, v38;
	v25 =	vor.u32 v11, v38;
	v22 =	vand.u32 $0xF, v38;
	[tilespmem:v34+s18+$0x0] =	vst.idx.msk $0xffff, v23  }
0xc8: {  	v21 =	vshll.u32 v38, $0x5;
	v23 =	vor.u32 v1, v22;
	v39 =	vor.u32 v2, v22;
	[tilespmem:v31+s18+$0x0] =	vst.idx.msk $0xffff, v18  }
0xc9: {  	v26 =	vand.u32 $0x60, v21;
	v29 =	vor.u32 v6, v22;
	v18 =	vor.u32 v5, v22;
	[tilespmem:v28+s18+$0x0] =	vst.idx.msk $0xffff, v33  }
0xca: {  	v28 =	vor.u32 v9, v22;
	v33 =	vor.u32 v0, v26;
	[tilespmem:v32+s18+$0x0] =	vst.idx.msk $0xffff, v19  }
0xcb: {  	v40 =	vor.u32 v17, v26;
	v32 =	vor.u32 v10, v22;
	v19 =	vor.u32 v13, v22  }
0xcc: {  	v41 =	vor.u32 v7, v38;
	v42 =	vor.u32 v8, v38;
	[tilespmem:v27+s18+$0x0] =	vst.idx.msk $0xffff, v24  }
0xcd: {  	v44 =	vand.u32 $0x180, v21;
	v24 =	vor.u32 v12, v38;
	v27 =	vor.u32 v15, v38;
	v43 =	vld.idx.msk [tilespmem:v20+s4+$0x0], $0xffff  }
0xce: {  	v47 =	vor.u32 v44, v40;
	v46 =	vor.u32 v44, v33;
	v45 =	vld.idx.msk [tilespmem:v18+s4+$0x0], $0xffff;
	v18 =	vor.u32 $0x400, v44  }
0xcf: {  	v20 =	vld.idx.msk [tilespmem:v28+s4+$0x0], $0xffff;
	v28 =	vor.u32 $0x200, v44;
	v48 =	vor.u32 v33, v18;
	v26 =	vor.u32 v40, v18  }
0xd0: {  	v49 =	vor.u32 v14, v22;
	v22 =	vor.u32 $0x600, v44;
	v21 =	vld.idx.msk [tilespmem:v29+s4+$0x0], $0xffff;
	v50 =	vor.u32 v33, v28  }
0xd1: {  	v30 =	vor.u32 v33, v22;
	v51 =	vor.u32 v40, v28;
	v29 =	vor.u32 v40, v22;
	v18 =	vld.idx.msk [tilespmem:v19+s4+$0x0], $0xffff  }
0xd2: {  	v22 =	vor.u32 $0x800, v44;
	v28 =	vor.u32 $0xC00, v44;
	v52 =	vld.idx.msk [tilespmem:v23+s4+$0x0], $0xffff;
	v23 =	vor.u32 $0xA00, v44  }
0xd3: {  	v37 =	vor.u32 v33, v22;
	v35 =	vor.u32 v40, v22;
	v19 =	vld.idx.msk [tilespmem:v27+s4+$0x0], $0xffff;
	v36 =	vor.u32 v33, v23  }
0xd4: {  	v31 =	vor.u32 v33, v28;
	v28 =	vor.u32 v40, v28;
	v34 =	vor.u32 v40, v23;
	v22 =	vld.idx.msk [tilespmem:v25+s4+$0x0], $0xffff  }
0xd5: {  	v53 =	vor.u32 v4, v38;
	v23 =	vld.idx.msk [tilespmem:v24+s4+$0x0], $0xffff;
	v24 =	vor.u32 $0xE00, v44  }
0xd6: {  	v44 =	vor.u32 v16, v38;
	v25 =	vld.idx.msk [tilespmem:v32+s4+$0x0], $0xffff;
	v32 =	vor.u32 v33, v24;
	v27 =	vor.u32 v40, v24  }
0xd7: {  	v38 =	vld.idx.msk [tilespmem:v41+s4+$0x0], $0xffff  }
0xd8: {  	v40 =	vld.idx.msk [tilespmem:v39+s4+$0x0], $0xffff  }
0xd9: {  	v39 =	vld.idx.msk [tilespmem:v42+s4+$0x0], $0xffff  }
0xda: {  	v41 =	vld.idx.msk [tilespmem:v53+s4+$0x0], $0xffff  }
0xdb: {  	v24 =	vld.idx.msk [tilespmem:v44+s4+$0x0], $0xffff  }
0xdc: {  	v33 =	vld.idx.msk [tilespmem:v49+s4+$0x0], $0xffff  }
.Ltmp2:
0xdd: {  	[tilespmem:v46+s18+$0x0] =	vst.idx.msk $0xffff, v52;
	(pc) =	sbr.rel @p1 .LBB2_7-.Ltmp2, $4  }
0xde: {  	[tilespmem:v47+s18+$0x0] =	vst.idx.msk $0xffff, v40  }
0xdf: {  	[tilespmem:v50+s18+$0x0] =	vst.idx.msk $0xffff, v43  }
0xe0: {  	[tilespmem:v51+s18+$0x0] =	vst.idx.msk $0xffff, v41  }
0xe1: {  	[tilespmem:v48+s18+$0x0] =	vst.idx.msk $0xffff, v45  }
0xe2: {  	_ =	sdelay $0x3  }
0xe3: {  	[tilespmem:v26+s18+$0x0] =	vst.idx.msk $0xffff, v21  }
0xe4: {  	[tilespmem:v30+s18+$0x0] =	vst.idx.msk $0xffff, v38  }
0xe5: {  	[tilespmem:v29+s18+$0x0] =	vst.idx.msk $0xffff, v39  }
0xe6: {  	[tilespmem:v37+s18+$0x0] =	vst.idx.msk $0xffff, v20  }
0xe7: {  	[tilespmem:v35+s18+$0x0] =	vst.idx.msk $0xffff, v25  }
0xe8: {  	[tilespmem:v36+s18+$0x0] =	vst.idx.msk $0xffff, v22  }
0xe9: {  	[tilespmem:v34+s18+$0x0] =	vst.idx.msk $0xffff, v23  }
0xea: {  	s28 =	sadd.s32 @!p0 s26, s11;
	[tilespmem:v31+s18+$0x0] =	vst.idx.msk $0xffff, v18  }
0xeb: {  	s28 =	smin.u32 @!p0 s28, $0x1E83;
	[tilespmem:v28+s18+$0x0] =	vst.idx.msk $0xffff, v33  }
0xec: {  	s29 =	simm.s32 @!p0 $0x400;
	s30 =	simm.s32 @!p0 $0x7A1400;
	s28 =	sshll.u32 @!p0 s28, $0x7;
	[tilespmem:v32+s18+$0x0] =	vst.idx.msk $0xffff, v19  }
0xed: {  	s31 =	simm.s32 @!p0 $0x0;
	s25 =	sadd.s32 $0x1, s25;
	s28 =	sadd.s32 @!p0 s2, s28;
	[tilespmem:v27+s18+$0x0] =	vst.idx.msk $0xffff, v24  }
0xee: {  	[tilespmem:s31], [sflag:$0x1] =	stream.strided.gather @!p0 [hbm4b:s28+s29], $0x1000, s30, s29, $0x38;
	[tilespmem:$0x4000] =	vst v63  }
0xef: {  	p0 =	sne.s32 s25, $0x7A  }
.Ltmp3:
0xf0: {  	s31 =	sadd.s32 s26, s12;
	(pc) =	sbr.rel @p0 .LBB2_4-.Ltmp3, $4  }
0xf1: {  	s26 =	smin.u32 s31, $0x1E83  }
0xf2: {  	s26 =	sshll.u32 s26, $0x9  }
0xf3: {  	s26 =	sadd.s32 s3, s26  }
0xf4: {  	[hbm4b:s26+s4] =	stream.linear.scatter [tilespmem:s18], [sflag:$0x3], $0x1000, $0x38;
	[tilespmem:$0x4000] =	vst v63  }
0xf5: {  	s23 =	sadd.s32 $0x1, s23  }
0xf6: {  	_ =	swait.ge [sflag:s21], $0x1000;
	p0 =	sne.s32 s23, s13  }
.Ltmp4:
0xf7: {  	[sflag:s21] =	ssyncset.done $0x0;
	(pc) =	sbr.rel @p0 .LBB2_1-.Ltmp4, $4  }
0xf8: {  	[sflag:s21] =	ssyncadd.s32 $0xFFFFF000  }
0xf9: {  	_ =	swait.ge [sflag:s22], $0x1000  }
0xfa: {  	[sflag:s22] =	ssyncset.done $0x0  }
0xfb: {  	[sflag:s22] =	ssyncadd.s32 $0xFFFFF000  }
0xfc: {  	_ =	sfence.sel $0x180000  }
0xfd: {  	[bflag:$0x0] =	sbarrier.arrive $0xFFFF  }
0xfe: {  	p0 =	sne.s32 s0, $0x0;
	_ =	strace $0x90000047  }
0xff: {  	s0 =	sadd.s32 @!p0 $0x100000, s1;
	[bflag:$0x2] =	sbarrier.arrive $0xFFFF  }
0x100: {  	[sflag:s0] =	ssyncadd.tile.s32 @!p0 $0x1;
	_ =	shalt  }
.Lfunc_end2:
_tile_overlayer_lowered:
.L_overlay_start_2:
0x101: {  	(tag) =	ssettag $0x2  }
0x102: {  	s0 =	rddreg [dreg:$0x0];
	s2 =	stileid.u32  }
0x103: {  	s1 =	rddreg [dreg:$0x1];
	p0 =	sne.s32 s2, $0x0  }
0x104: {  	s3 =	rddreg [dreg:$0x2];
	[bflag:$0x3] =	sbarrier.arrive $0xFFFF;
	s2 =	simm.s32 @!p0 $0x1C05  }
0x105: {  	[timem:s3], [sflag:s2] =	dma.local @!p0 [hbm:s0], s1  }
0x106: {  	s0 =	simm.s32 @!p0 $0x5  }
0x107: {  	_ =	swait.ge @!p0 [sflag:s0], s1  }
0x108: {  	s1 =	ssub.s32 @!p0 $0x0, s1;
	[sflag:s0] =	ssyncset.done @!p0 $0x0  }
0x109: {  	[sflag:s0] =	ssyncadd.s32 @!p0 s1  }
0x10a: {  	[bflag:$0x3] =	sbarrier.arrive $0xFFFF  }
0x10b: {  	_ =	shalt  }

</sc_bundles>
